<compile_context>
chip_gen: v7x
topology: tpu7x:2x2x1
jax: 0.10.2.dev20260603
libtpu: 0.0.44.dev20260713+nightly
codegen_flags: <defaults>
</compile_context>

<pallas_src>
import functools

import jax
import jax.numpy as jnp
from jax import lax
from jax.experimental import pallas as pl
from jax.experimental.pallas import tpu as pltpu
from jax.experimental.pallas import tpu_sc as plsc

NUM_EMB = 1000000
DIM = 64
BATCH = 16384
SEQ = 50
B_TOTAL = BATCH * SEQ
NC, NS = 2, 16
NW = NC * NS
B_PER_W = B_TOTAL // NW
CHUNK = 128
K = 4
GROUP = K * CHUNK
G = B_PER_W // GROUP

_mesh = plsc.VectorSubcoreMesh(core_axis_name="c", subcore_axis_name="s")


@functools.partial(
    pl.kernel,
    out_type=jax.ShapeDtypeStruct((B_TOTAL, DIM), jnp.float32),
    mesh=_mesh,
    scratch_types=[
        pltpu.VMEM((B_PER_W,), jnp.int32),
        pltpu.VMEM((2, GROUP, DIM), jnp.float32),
        pltpu.SemaphoreType.DMA,
        pltpu.SemaphoreType.DMA,
    ],
    compiler_params=pltpu.CompilerParams(use_tc_tiling_on_sc=False),
)
def _gather_kernel(table_hbm, idx_hbm, out_hbm, idx_v, rows_v, sem0, sem1):
    wid = lax.axis_index("s") * NC + lax.axis_index("c")
    base = wid * B_PER_W
    pltpu.sync_copy(idx_hbm.at[pl.ds(base, B_PER_W)], idx_v)
    sems = (sem0, sem1)

    def handle(g, half, j):
        src = table_hbm.at[idx_v.at[pl.ds((g * K + j) * CHUNK, CHUNK)]]
        dst = rows_v.at[half, pl.ds(j * CHUNK, CHUNK)]
        return pltpu.make_async_copy(src, dst, sems[half])

    def fire(g, half):
        for j in range(K):
            handle(g, half, j).start()

    def drain(g, half):
        for j in range(K):
            handle(g, half, j).wait()

    def store(g, half):
        pltpu.sync_copy(rows_v.at[half], out_hbm.at[pl.ds(base + g * GROUP, GROUP)])

    fire(0, 0)

    def body(t, carry):
        g0 = 2 * t
        fire(g0 + 1, 1)
        drain(g0, 0)
        store(g0, 0)
        fire(g0 + 2, 0)
        drain(g0 + 1, 1)
        store(g0 + 1, 1)
        return carry

    lax.fori_loop(0, G // 2 - 1, body, 0)
    fire(G - 1, 1)
    drain(G - 2, 0)
    store(G - 2, 0)
    drain(G - 1, 1)
    store(G - 1, 1)


def kernel(input_ids, weight):
    idx_flat = input_ids.reshape(-1).astype(jnp.int32)
    out = _gather_kernel(weight, idx_flat)
    return out.reshape(BATCH, SEQ, DIM)

# --- scband reference (transcript-rebuilt; emitter-appended) ---
"""Pipeline reference for scband-tensor-parallel-embedding-33260226740474 (READ-ONLY COPY).

The authoritative reference and input builder live on the scoring server;
editing this copy changes nothing except your own understanding.
"""

import jax, jax.numpy as jnp
import numpy as np

NUM_EMBEDDINGS = 1000000
EMBEDDING_DIM = 64
VOCAB_START = 0
VOCAB_END = NUM_EMBEDDINGS  # world_size == 1


def setup_inputs(seed: int = 0) -> dict:
    key = jax.random.key(seed)
    k_idx, k_w = jax.random.split(key)
    input_ids = jax.random.randint(k_idx, (16384, 50), 0, NUM_EMBEDDINGS, dtype=jnp.int64 if jax.config.jax_enable_x64 else jnp.int32)
    weight = jax.random.normal(k_w, (NUM_EMBEDDINGS, EMBEDDING_DIM), dtype=jnp.float32)
    return {"input_ids": input_ids, "weight": weight}


def reference(input_ids, weight):
    # mask out-of-partition ids (world_size==1 -> mask is all False, but keep logic faithful)
    mask = (input_ids < VOCAB_START) | (input_ids >= VOCAB_END)
    masked_input = jnp.where(mask, 0, input_ids - VOCAB_START)
    output_parallel = jnp.take(weight, masked_input, axis=0)
    output_parallel = jnp.where(mask[..., None], 0.0, output_parallel)
    # all_gather with world_size==1 is identity
    return output_parallel

if __name__ == "__main__":
    import jax
    _d = setup_inputs()
    print(jax.jit(kernel)(*tuple(_d.values())))

</pallas_src>

<mosaic_0001>
#map = affine_map<(d0, d1) -> (0, 0)>
#map1 = affine_map<(d0, d1) -> (0)>
module attributes {stable_mosaic.version = 14 : i64} {
  func.func @_gather_kernel(%arg0: i32, %arg1: i32, %arg2: memref<1000000x64xf32, #tpu.memory_space<hbm>>, %arg3: memref<819200xi32, #tpu.memory_space<hbm>>, %arg4: memref<819200x64xf32, #tpu.memory_space<hbm>>, %arg5: memref<25600xi32, #tpu.memory_space<vmem>>, %arg6: memref<2x512x64xf32, #tpu.memory_space<vmem>>, %arg7: memref<!tpu.dma_semaphore, #tpu.memory_space<semaphore_mem>>, %arg8: memref<!tpu.dma_semaphore, #tpu.memory_space<semaphore_mem>>) attributes {dimension_semantics = [#tpu.dimension_semantics<core_parallel>, #tpu.dimension_semantics<subcore_parallel>], iteration_bounds = array<i64: 2, 16>, scalar_prefetch = 0 : i64, scratch_operands = 4 : i64, tpu.core_type = #tpu.core_type<sc_vector_subcore>, window_params = [{transform_indices = #map}, {transform_indices = #map1}, {transform_indices = #map}]} {
    %mul3A = arith.constant 2 : i32
    %mul3A_0 = arith.muli %arg1, %mul3A : i32
    %add3A = arith.addi %mul3A_0, %arg0 : i32
    %mul3A_1 = arith.constant 25600 : i32
    %mul3A_2 = arith.muli %add3A, %mul3A_1 : i32
    "tpu.region"() ({
      %run_scoped3A_171 = tpu.sem_alloc : memref<!tpu.dma_semaphore, #tpu.memory_space<semaphore_mem>>
      %dma_start3A_172 = tpu.memref_slice %arg3[%mul3A_2] : memref<819200xi32, #tpu.memory_space<hbm>> -> memref<25600xi32, #tpu.memory_space<hbm>>
      %dma_start3A_173 = tpu.memref_slice %arg3[%mul3A_2] : memref<819200xi32, #tpu.memory_space<hbm>> -> memref<25600xi32, #tpu.memory_space<hbm>>
      tpu.enqueue_dma source(%dma_start3A_173 : memref<25600xi32, #tpu.memory_space<hbm>>) target(%arg5 : memref<25600xi32, #tpu.memory_space<vmem>>) target_semaphore(%run_scoped3A_171 : memref<!tpu.dma_semaphore, #tpu.memory_space<semaphore_mem>>)
      %dma_wait3A_174 = tpu.memref_slice %arg3[%mul3A_2] : memref<819200xi32, #tpu.memory_space<hbm>> -> memref<25600xi32, #tpu.memory_space<hbm>>
      %dma_wait3A_175 = tpu.memref_slice %arg3[%mul3A_2] : memref<819200xi32, #tpu.memory_space<hbm>> -> memref<25600xi32, #tpu.memory_space<hbm>>
      tpu.wait_dma2 semaphore(%run_scoped3A_171 : memref<!tpu.dma_semaphore, #tpu.memory_space<semaphore_mem>>) src(%dma_wait3A_175 : memref<25600xi32, #tpu.memory_space<hbm>>) dst(%arg5 : memref<25600xi32, #tpu.memory_space<vmem>>)
      tpu.yield
    }) : () -> ()
    %dma_start3A = arith.constant 0 : i32
    %dma_start3A_3 = arith.constant 0 : i32
    %dma_start3A_4 = arith.constant 0 : i32
    %dma_start3A_5 = tpu.memref_slice %arg6[%dma_start3A, %dma_start3A_3, %dma_start3A_4] : memref<2x512x64xf32, #tpu.memory_space<vmem>> -> memref<1x128x64xf32, #tpu.memory_space<vmem>>
    %dma_start3A_6 = tpu.memref_squeeze %dma_start3A_5 : memref<1x128x64xf32, #tpu.memory_space<vmem>> -> memref<128x64xf32, #tpu.memory_space<vmem>>
    %dma_start3A_7 = arith.constant 0 : i32
    %dma_start3A_8 = tpu.memref_slice %arg5[%dma_start3A_7] : memref<25600xi32, #tpu.memory_space<vmem>> -> memref<128xi32, #tpu.memory_space<vmem>>
    %dma_start3A_9 = arith.constant 0 : i32
    %dma_start3A_10 = arith.constant 0 : i32
    %dma_start3A_11 = tpu.memref_slice %arg2[%dma_start3A_9, %dma_start3A_10] : memref<1000000x64xf32, #tpu.memory_space<hbm>> -> memref<1000000x64xf32, #tpu.memory_space<hbm>>
    tpu.enqueue_indirect_dma source(%dma_start3A_11 : memref<1000000x64xf32, #tpu.memory_space<hbm>>) target(%dma_start3A_6 : memref<128x64xf32, #tpu.memory_space<vmem>>) offsets(%dma_start3A_8 : memref<128xi32, #tpu.memory_space<vmem>>) semaphore(%arg7 : memref<!tpu.dma_semaphore, #tpu.memory_space<semaphore_mem>>)
    %dma_start3A_12 = arith.constant 0 : i32
    %dma_start3A_13 = arith.constant 128 : i32
    %dma_start3A_14 = arith.constant 0 : i32
    %dma_start3A_15 = tpu.memref_slice %arg6[%dma_start3A_12, %dma_start3A_13, %dma_start3A_14] : memref<2x512x64xf32, #tpu.memory_space<vmem>> -> memref<1x128x64xf32, #tpu.memory_space<vmem>>
    %dma_start3A_16 = tpu.memref_squeeze %dma_start3A_15 : memref<1x128x64xf32, #tpu.memory_space<vmem>> -> memref<128x64xf32, #tpu.memory_space<vmem>>
    %dma_start3A_17 = arith.constant 128 : i32
    %dma_start3A_18 = tpu.memref_slice %arg5[%dma_start3A_17] : memref<25600xi32, #tpu.memory_space<vmem>> -> memref<128xi32, #tpu.memory_space<vmem>>
    %dma_start3A_19 = arith.constant 0 : i32
    %dma_start3A_20 = arith.constant 0 : i32
    %dma_start3A_21 = tpu.memref_slice %arg2[%dma_start3A_19, %dma_start3A_20] : memref<1000000x64xf32, #tpu.memory_space<hbm>> -> memref<1000000x64xf32, #tpu.memory_space<hbm>>
    tpu.enqueue_indirect_dma source(%dma_start3A_21 : memref<1000000x64xf32, #tpu.memory_space<hbm>>) target(%dma_start3A_16 : memref<128x64xf32, #tpu.memory_space<vmem>>) offsets(%dma_start3A_18 : memref<128xi32, #tpu.memory_space<vmem>>) semaphore(%arg7 : memref<!tpu.dma_semaphore, #tpu.memory_space<semaphore_mem>>)
    %dma_start3A_22 = arith.constant 0 : i32
    %dma_start3A_23 = arith.constant 256 : i32
    %dma_start3A_24 = arith.constant 0 : i32
    %dma_start3A_25 = tpu.memref_slice %arg6[%dma_start3A_22, %dma_start3A_23, %dma_start3A_24] : memref<2x512x64xf32, #tpu.memory_space<vmem>> -> memref<1x128x64xf32, #tpu.memory_space<vmem>>
    %dma_start3A_26 = tpu.memref_squeeze %dma_start3A_25 : memref<1x128x64xf32, #tpu.memory_space<vmem>> -> memref<128x64xf32, #tpu.memory_space<vmem>>
    %dma_start3A_27 = arith.constant 256 : i32
    %dma_start3A_28 = tpu.memref_slice %arg5[%dma_start3A_27] : memref<25600xi32, #tpu.memory_space<vmem>> -> memref<128xi32, #tpu.memory_space<vmem>>
    %dma_start3A_29 = arith.constant 0 : i32
    %dma_start3A_30 = arith.constant 0 : i32
    %dma_start3A_31 = tpu.memref_slice %arg2[%dma_start3A_29, %dma_start3A_30] : memref<1000000x64xf32, #tpu.memory_space<hbm>> -> memref<1000000x64xf32, #tpu.memory_space<hbm>>
    tpu.enqueue_indirect_dma source(%dma_start3A_31 : memref<1000000x64xf32, #tpu.memory_space<hbm>>) target(%dma_start3A_26 : memref<128x64xf32, #tpu.memory_space<vmem>>) offsets(%dma_start3A_28 : memref<128xi32, #tpu.memory_space<vmem>>) semaphore(%arg7 : memref<!tpu.dma_semaphore, #tpu.memory_space<semaphore_mem>>)
    %dma_start3A_32 = arith.constant 0 : i32
    %dma_start3A_33 = arith.constant 384 : i32
    %dma_start3A_34 = arith.constant 0 : i32
    %dma_start3A_35 = tpu.memref_slice %arg6[%dma_start3A_32, %dma_start3A_33, %dma_start3A_34] : memref<2x512x64xf32, #tpu.memory_space<vmem>> -> memref<1x128x64xf32, #tpu.memory_space<vmem>>
    %dma_start3A_36 = tpu.memref_squeeze %dma_start3A_35 : memref<1x128x64xf32, #tpu.memory_space<vmem>> -> memref<128x64xf32, #tpu.memory_space<vmem>>
    %dma_start3A_37 = arith.constant 384 : i32
    %dma_start3A_38 = tpu.memref_slice %arg5[%dma_start3A_37] : memref<25600xi32, #tpu.memory_space<vmem>> -> memref<128xi32, #tpu.memory_space<vmem>>
    %dma_start3A_39 = arith.constant 0 : i32
    %dma_start3A_40 = arith.constant 0 : i32
    %dma_start3A_41 = tpu.memref_slice %arg2[%dma_start3A_39, %dma_start3A_40] : memref<1000000x64xf32, #tpu.memory_space<hbm>> -> memref<1000000x64xf32, #tpu.memory_space<hbm>>
    tpu.enqueue_indirect_dma source(%dma_start3A_41 : memref<1000000x64xf32, #tpu.memory_space<hbm>>) target(%dma_start3A_36 : memref<128x64xf32, #tpu.memory_space<vmem>>) offsets(%dma_start3A_38 : memref<128xi32, #tpu.memory_space<vmem>>) semaphore(%arg7 : memref<!tpu.dma_semaphore, #tpu.memory_space<semaphore_mem>>)
    %scan3A = arith.constant 0 : i32
    %scan3A_42 = arith.constant 0 : i32
    %scan3A_43 = arith.constant 24 : i32
    %scan3A_44 = arith.addi %scan3A_42, %scan3A_43 : i32
    %scan3A_45 = arith.constant 1 : i32
    scf.for %scan3A_171 = %scan3A_42 to %scan3A_44 step %scan3A_45  : i32 {
      %mul3A_172 = arith.constant 2 : i32
      %mul3A_173 = arith.muli %mul3A_172, %scan3A_171 : i32
      %add3A_174 = arith.constant 1 : i32
      %add3A_175 = arith.addi %mul3A_173, %add3A_174 : i32
      %mul3A_176 = arith.constant 4 : i32
      %mul3A_177 = arith.muli %add3A_175, %mul3A_176 : i32
      %add3A_178 = arith.constant 0 : i32
      %add3A_179 = arith.addi %mul3A_177, %add3A_178 : i32
      %mul3A_180 = arith.constant 128 : i32
      %mul3A_181 = arith.muli %add3A_179, %mul3A_180 : i32
      %dma_start3A_182 = arith.constant 1 : i32
      %dma_start3A_183 = arith.constant 0 : i32
      %dma_start3A_184 = arith.constant 0 : i32
      %dma_start3A_185 = tpu.memref_slice %arg6[%dma_start3A_182, %dma_start3A_183, %dma_start3A_184] : memref<2x512x64xf32, #tpu.memory_space<vmem>> -> memref<1x128x64xf32, #tpu.memory_space<vmem>>
      %dma_start3A_186 = tpu.memref_squeeze %dma_start3A_185 : memref<1x128x64xf32, #tpu.memory_space<vmem>> -> memref<128x64xf32, #tpu.memory_space<vmem>>
      %dma_start3A_187 = tpu.memref_slice %arg5[%mul3A_181] : memref<25600xi32, #tpu.memory_space<vmem>> -> memref<128xi32, #tpu.memory_space<vmem>>
      %dma_start3A_188 = arith.constant 0 : i32
      %dma_start3A_189 = arith.constant 0 : i32
      %dma_start3A_190 = tpu.memref_slice %arg2[%dma_start3A_188, %dma_start3A_189] : memref<1000000x64xf32, #tpu.memory_space<hbm>> -> memref<1000000x64xf32, #tpu.memory_space<hbm>>
      tpu.enqueue_indirect_dma source(%dma_start3A_190 : memref<1000000x64xf32, #tpu.memory_space<hbm>>) target(%dma_start3A_186 : memref<128x64xf32, #tpu.memory_space<vmem>>) offsets(%dma_start3A_187 : memref<128xi32, #tpu.memory_space<vmem>>) semaphore(%arg8 : memref<!tpu.dma_semaphore, #tpu.memory_space<semaphore_mem>>)
      %mul3A_191 = arith.constant 4 : i32
      %mul3A_192 = arith.muli %add3A_175, %mul3A_191 : i32
      %add3A_193 = arith.constant 1 : i32
      %add3A_194 = arith.addi %mul3A_192, %add3A_193 : i32
      %mul3A_195 = arith.constant 128 : i32
      %mul3A_196 = arith.muli %add3A_194, %mul3A_195 : i32
      %dma_start3A_197 = arith.constant 1 : i32
      %dma_start3A_198 = arith.constant 128 : i32
      %dma_start3A_199 = arith.constant 0 : i32
      %dma_start3A_200 = tpu.memref_slice %arg6[%dma_start3A_197, %dma_start3A_198, %dma_start3A_199] : memref<2x512x64xf32, #tpu.memory_space<vmem>> -> memref<1x128x64xf32, #tpu.memory_space<vmem>>
      %dma_start3A_201 = tpu.memref_squeeze %dma_start3A_200 : memref<1x128x64xf32, #tpu.memory_space<vmem>> -> memref<128x64xf32, #tpu.memory_space<vmem>>
      %dma_start3A_202 = tpu.memref_slice %arg5[%mul3A_196] : memref<25600xi32, #tpu.memory_space<vmem>> -> memref<128xi32, #tpu.memory_space<vmem>>
      %dma_start3A_203 = arith.constant 0 : i32
      %dma_start3A_204 = arith.constant 0 : i32
      %dma_start3A_205 = tpu.memref_slice %arg2[%dma_start3A_203, %dma_start3A_204] : memref<1000000x64xf32, #tpu.memory_space<hbm>> -> memref<1000000x64xf32, #tpu.memory_space<hbm>>
      tpu.enqueue_indirect_dma source(%dma_start3A_205 : memref<1000000x64xf32, #tpu.memory_space<hbm>>) target(%dma_start3A_201 : memref<128x64xf32, #tpu.memory_space<vmem>>) offsets(%dma_start3A_202 : memref<128xi32, #tpu.memory_space<vmem>>) semaphore(%arg8 : memref<!tpu.dma_semaphore, #tpu.memory_space<semaphore_mem>>)
      %mul3A_206 = arith.constant 4 : i32
      %mul3A_207 = arith.muli %add3A_175, %mul3A_206 : i32
      %add3A_208 = arith.constant 2 : i32
      %add3A_209 = arith.addi %mul3A_207, %add3A_208 : i32
      %mul3A_210 = arith.constant 128 : i32
      %mul3A_211 = arith.muli %add3A_209, %mul3A_210 : i32
      %dma_start3A_212 = arith.constant 1 : i32
      %dma_start3A_213 = arith.constant 256 : i32
      %dma_start3A_214 = arith.constant 0 : i32
      %dma_start3A_215 = tpu.memref_slice %arg6[%dma_start3A_212, %dma_start3A_213, %dma_start3A_214] : memref<2x512x64xf32, #tpu.memory_space<vmem>> -> memref<1x128x64xf32, #tpu.memory_space<vmem>>
      %dma_start3A_216 = tpu.memref_squeeze %dma_start3A_215 : memref<1x128x64xf32, #tpu.memory_space<vmem>> -> memref<128x64xf32, #tpu.memory_space<vmem>>
      %dma_start3A_217 = tpu.memref_slice %arg5[%mul3A_211] : memref<25600xi32, #tpu.memory_space<vmem>> -> memref<128xi32, #tpu.memory_space<vmem>>
      %dma_start3A_218 = arith.constant 0 : i32
      %dma_start3A_219 = arith.constant 0 : i32
      %dma_start3A_220 = tpu.memref_slice %arg2[%dma_start3A_218, %dma_start3A_219] : memref<1000000x64xf32, #tpu.memory_space<hbm>> -> memref<1000000x64xf32, #tpu.memory_space<hbm>>
      tpu.enqueue_indirect_dma source(%dma_start3A_220 : memref<1000000x64xf32, #tpu.memory_space<hbm>>) target(%dma_start3A_216 : memref<128x64xf32, #tpu.memory_space<vmem>>) offsets(%dma_start3A_217 : memref<128xi32, #tpu.memory_space<vmem>>) semaphore(%arg8 : memref<!tpu.dma_semaphore, #tpu.memory_space<semaphore_mem>>)
      %mul3A_221 = arith.constant 4 : i32
      %mul3A_222 = arith.muli %add3A_175, %mul3A_221 : i32
      %add3A_223 = arith.constant 3 : i32
      %add3A_224 = arith.addi %mul3A_222, %add3A_223 : i32
      %mul3A_225 = arith.constant 128 : i32
      %mul3A_226 = arith.muli %add3A_224, %mul3A_225 : i32
      %dma_start3A_227 = arith.constant 1 : i32
      %dma_start3A_228 = arith.constant 384 : i32
      %dma_start3A_229 = arith.constant 0 : i32
      %dma_start3A_230 = tpu.memref_slice %arg6[%dma_start3A_227, %dma_start3A_228, %dma_start3A_229] : memref<2x512x64xf32, #tpu.memory_space<vmem>> -> memref<1x128x64xf32, #tpu.memory_space<vmem>>
      %dma_start3A_231 = tpu.memref_squeeze %dma_start3A_230 : memref<1x128x64xf32, #tpu.memory_space<vmem>> -> memref<128x64xf32, #tpu.memory_space<vmem>>
      %dma_start3A_232 = tpu.memref_slice %arg5[%mul3A_226] : memref<25600xi32, #tpu.memory_space<vmem>> -> memref<128xi32, #tpu.memory_space<vmem>>
      %dma_start3A_233 = arith.constant 0 : i32
      %dma_start3A_234 = arith.constant 0 : i32
      %dma_start3A_235 = tpu.memref_slice %arg2[%dma_start3A_233, %dma_start3A_234] : memref<1000000x64xf32, #tpu.memory_space<hbm>> -> memref<1000000x64xf32, #tpu.memory_space<hbm>>
      tpu.enqueue_indirect_dma source(%dma_start3A_235 : memref<1000000x64xf32, #tpu.memory_space<hbm>>) target(%dma_start3A_231 : memref<128x64xf32, #tpu.memory_space<vmem>>) offsets(%dma_start3A_232 : memref<128xi32, #tpu.memory_space<vmem>>) semaphore(%arg8 : memref<!tpu.dma_semaphore, #tpu.memory_space<semaphore_mem>>)
      %mul3A_236 = arith.constant 4 : i32
      %mul3A_237 = arith.muli %mul3A_173, %mul3A_236 : i32
      %add3A_238 = arith.constant 0 : i32
      %add3A_239 = arith.addi %mul3A_237, %add3A_238 : i32
      %mul3A_240 = arith.constant 128 : i32
      %mul3A_241 = arith.muli %add3A_239, %mul3A_240 : i32
      %dma_wait3A_242 = arith.constant 0 : i32
      %dma_wait3A_243 = arith.constant 0 : i32
      %dma_wait3A_244 = arith.constant 0 : i32
      %dma_wait3A_245 = tpu.memref_slice %arg6[%dma_wait3A_242, %dma_wait3A_243, %dma_wait3A_244] : memref<2x512x64xf32, #tpu.memory_space<vmem>> -> memref<1x128x64xf32, #tpu.memory_space<vmem>>
      %dma_wait3A_246 = tpu.memref_squeeze %dma_wait3A_245 : memref<1x128x64xf32, #tpu.memory_space<vmem>> -> memref<128x64xf32, #tpu.memory_space<vmem>>
      %dma_wait3A_247 = tpu.memref_slice %arg5[%mul3A_241] : memref<25600xi32, #tpu.memory_space<vmem>> -> memref<128xi32, #tpu.memory_space<vmem>>
      %dma_wait3A_248 = arith.constant 0 : i32
      %dma_wait3A_249 = arith.constant 0 : i32
      %dma_wait3A_250 = tpu.memref_slice %arg2[%dma_wait3A_248, %dma_wait3A_249] : memref<1000000x64xf32, #tpu.memory_space<hbm>> -> memref<1000000x64xf32, #tpu.memory_space<hbm>>
      tpu.wait_indirect_dma semaphore(%arg7 : memref<!tpu.dma_semaphore, #tpu.memory_space<semaphore_mem>>) src(%dma_wait3A_250 : memref<1000000x64xf32, #tpu.memory_space<hbm>>) dst(%dma_wait3A_246 : memref<128x64xf32, #tpu.memory_space<vmem>>)
      %mul3A_251 = arith.constant 4 : i32
      %mul3A_252 = arith.muli %mul3A_173, %mul3A_251 : i32
      %add3A_253 = arith.constant 1 : i32
      %add3A_254 = arith.addi %mul3A_252, %add3A_253 : i32
      %mul3A_255 = arith.constant 128 : i32
      %mul3A_256 = arith.muli %add3A_254, %mul3A_255 : i32
      %dma_wait3A_257 = arith.constant 0 : i32
      %dma_wait3A_258 = arith.constant 128 : i32
      %dma_wait3A_259 = arith.constant 0 : i32
      %dma_wait3A_260 = tpu.memref_slice %arg6[%dma_wait3A_257, %dma_wait3A_258, %dma_wait3A_259] : memref<2x512x64xf32, #tpu.memory_space<vmem>> -> memref<1x128x64xf32, #tpu.memory_space<vmem>>
      %dma_wait3A_261 = tpu.memref_squeeze %dma_wait3A_260 : memref<1x128x64xf32, #tpu.memory_space<vmem>> -> memref<128x64xf32, #tpu.memory_space<vmem>>
      %dma_wait3A_262 = tpu.memref_slice %arg5[%mul3A_256] : memref<25600xi32, #tpu.memory_space<vmem>> -> memref<128xi32, #tpu.memory_space<vmem>>
      %dma_wait3A_263 = arith.constant 0 : i32
      %dma_wait3A_264 = arith.constant 0 : i32
      %dma_wait3A_265 = tpu.memref_slice %arg2[%dma_wait3A_263, %dma_wait3A_264] : memref<1000000x64xf32, #tpu.memory_space<hbm>> -> memref<1000000x64xf32, #tpu.memory_space<hbm>>
      tpu.wait_indirect_dma semaphore(%arg7 : memref<!tpu.dma_semaphore, #tpu.memory_space<semaphore_mem>>) src(%dma_wait3A_265 : memref<1000000x64xf32, #tpu.memory_space<hbm>>) dst(%dma_wait3A_261 : memref<128x64xf32, #tpu.memory_space<vmem>>)
      %mul3A_266 = arith.constant 4 : i32
      %mul3A_267 = arith.muli %mul3A_173, %mul3A_266 : i32
      %add3A_268 = arith.constant 2 : i32
      %add3A_269 = arith.addi %mul3A_267, %add3A_268 : i32
      %mul3A_270 = arith.constant 128 : i32
      %mul3A_271 = arith.muli %add3A_269, %mul3A_270 : i32
      %dma_wait3A_272 = arith.constant 0 : i32
      %dma_wait3A_273 = arith.constant 256 : i32
      %dma_wait3A_274 = arith.constant 0 : i32
      %dma_wait3A_275 = tpu.memref_slice %arg6[%dma_wait3A_272, %dma_wait3A_273, %dma_wait3A_274] : memref<2x512x64xf32, #tpu.memory_space<vmem>> -> memref<1x128x64xf32, #tpu.memory_space<vmem>>
      %dma_wait3A_276 = tpu.memref_squeeze %dma_wait3A_275 : memref<1x128x64xf32, #tpu.memory_space<vmem>> -> memref<128x64xf32, #tpu.memory_space<vmem>>
      %dma_wait3A_277 = tpu.memref_slice %arg5[%mul3A_271] : memref<25600xi32, #tpu.memory_space<vmem>> -> memref<128xi32, #tpu.memory_space<vmem>>
      %dma_wait3A_278 = arith.constant 0 : i32
      %dma_wait3A_279 = arith.constant 0 : i32
      %dma_wait3A_280 = tpu.memref_slice %arg2[%dma_wait3A_278, %dma_wait3A_279] : memref<1000000x64xf32, #tpu.memory_space<hbm>> -> memref<1000000x64xf32, #tpu.memory_space<hbm>>
      tpu.wait_indirect_dma semaphore(%arg7 : memref<!tpu.dma_semaphore, #tpu.memory_space<semaphore_mem>>) src(%dma_wait3A_280 : memref<1000000x64xf32, #tpu.memory_space<hbm>>) dst(%dma_wait3A_276 : memref<128x64xf32, #tpu.memory_space<vmem>>)
      %mul3A_281 = arith.constant 4 : i32
      %mul3A_282 = arith.muli %mul3A_173, %mul3A_281 : i32
      %add3A_283 = arith.constant 3 : i32
      %add3A_284 = arith.addi %mul3A_282, %add3A_283 : i32
      %mul3A_285 = arith.constant 128 : i32
      %mul3A_286 = arith.muli %add3A_284, %mul3A_285 : i32
      %dma_wait3A_287 = arith.constant 0 : i32
      %dma_wait3A_288 = arith.constant 384 : i32
      %dma_wait3A_289 = arith.constant 0 : i32
      %dma_wait3A_290 = tpu.memref_slice %arg6[%dma_wait3A_287, %dma_wait3A_288, %dma_wait3A_289] : memref<2x512x64xf32, #tpu.memory_space<vmem>> -> memref<1x128x64xf32, #tpu.memory_space<vmem>>
      %dma_wait3A_291 = tpu.memref_squeeze %dma_wait3A_290 : memref<1x128x64xf32, #tpu.memory_space<vmem>> -> memref<128x64xf32, #tpu.memory_space<vmem>>
      %dma_wait3A_292 = tpu.memref_slice %arg5[%mul3A_286] : memref<25600xi32, #tpu.memory_space<vmem>> -> memref<128xi32, #tpu.memory_space<vmem>>
      %dma_wait3A_293 = arith.constant 0 : i32
      %dma_wait3A_294 = arith.constant 0 : i32
      %dma_wait3A_295 = tpu.memref_slice %arg2[%dma_wait3A_293, %dma_wait3A_294] : memref<1000000x64xf32, #tpu.memory_space<hbm>> -> memref<1000000x64xf32, #tpu.memory_space<hbm>>
      tpu.wait_indirect_dma semaphore(%arg7 : memref<!tpu.dma_semaphore, #tpu.memory_space<semaphore_mem>>) src(%dma_wait3A_295 : memref<1000000x64xf32, #tpu.memory_space<hbm>>) dst(%dma_wait3A_291 : memref<128x64xf32, #tpu.memory_space<vmem>>)
      %mul3A_296 = arith.constant 512 : i32
      %mul3A_297 = arith.muli %mul3A_173, %mul3A_296 : i32
      %add3A_298 = arith.addi %mul3A_2, %mul3A_297 : i32
      %run_scoped3A_299 = arith.constant 0 : i32
      "tpu.region"() ({
        %run_scoped3A_430 = tpu.sem_alloc : memref<!tpu.dma_semaphore, #tpu.memory_space<semaphore_mem>>
        %dma_start3A_431 = arith.constant 0 : i32
        %dma_start3A_432 = arith.constant 0 : i32
        %dma_start3A_433 = tpu.memref_slice %arg6[%run_scoped3A_299, %dma_start3A_431, %dma_start3A_432] : memref<2x512x64xf32, #tpu.memory_space<vmem>> -> memref<1x512x64xf32, #tpu.memory_space<vmem>>
        %dma_start3A_434 = tpu.memref_squeeze %dma_start3A_433 : memref<1x512x64xf32, #tpu.memory_space<vmem>> -> memref<512x64xf32, #tpu.memory_space<vmem>>
        %dma_start3A_435 = arith.constant 0 : i32
        %dma_start3A_436 = tpu.memref_slice %arg4[%add3A_298, %dma_start3A_435] : memref<819200x64xf32, #tpu.memory_space<hbm>> -> memref<512x64xf32, #tpu.memory_space<hbm>>
        %dma_start3A_437 = arith.constant 0 : i32
        %dma_start3A_438 = tpu.memref_slice %arg4[%add3A_298, %dma_start3A_437] : memref<819200x64xf32, #tpu.memory_space<hbm>> -> memref<512x64xf32, #tpu.memory_space<hbm>>
        %dma_start3A_439 = arith.constant 0 : i32
        %dma_start3A_440 = arith.constant 0 : i32
        %dma_start3A_441 = tpu.memref_slice %arg6[%run_scoped3A_299, %dma_start3A_439, %dma_start3A_440] : memref<2x512x64xf32, #tpu.memory_space<vmem>> -> memref<1x512x64xf32, #tpu.memory_space<vmem>>
        %dma_start3A_442 = tpu.memref_squeeze %dma_start3A_441 : memref<1x512x64xf32, #tpu.memory_space<vmem>> -> memref<512x64xf32, #tpu.memory_space<vmem>>
        tpu.enqueue_dma source(%dma_start3A_442 : memref<512x64xf32, #tpu.memory_space<vmem>>) target(%dma_start3A_438 : memref<512x64xf32, #tpu.memory_space<hbm>>) target_semaphore(%run_scoped3A_430 : memref<!tpu.dma_semaphore, #tpu.memory_space<semaphore_mem>>)
        %dma_wait3A_443 = arith.constant 0 : i32
        %dma_wait3A_444 = arith.constant 0 : i32
        %dma_wait3A_445 = tpu.memref_slice %arg6[%run_scoped3A_299, %dma_wait3A_443, %dma_wait3A_444] : memref<2x512x64xf32, #tpu.memory_space<vmem>> -> memref<1x512x64xf32, #tpu.memory_space<vmem>>
        %dma_wait3A_446 = tpu.memref_squeeze %dma_wait3A_445 : memref<1x512x64xf32, #tpu.memory_space<vmem>> -> memref<512x64xf32, #tpu.memory_space<vmem>>
        %dma_wait3A_447 = arith.constant 0 : i32
        %dma_wait3A_448 = tpu.memref_slice %arg4[%add3A_298, %dma_wait3A_447] : memref<819200x64xf32, #tpu.memory_space<hbm>> -> memref<512x64xf32, #tpu.memory_space<hbm>>
        %dma_wait3A_449 = arith.constant 0 : i32
        %dma_wait3A_450 = tpu.memref_slice %arg4[%add3A_298, %dma_wait3A_449] : memref<819200x64xf32, #tpu.memory_space<hbm>> -> memref<512x64xf32, #tpu.memory_space<hbm>>
        %dma_wait3A_451 = arith.constant 0 : i32
        %dma_wait3A_452 = arith.constant 0 : i32
        %dma_wait3A_453 = tpu.memref_slice %arg6[%run_scoped3A_299, %dma_wait3A_451, %dma_wait3A_452] : memref<2x512x64xf32, #tpu.memory_space<vmem>> -> memref<1x512x64xf32, #tpu.memory_space<vmem>>
        %dma_wait3A_454 = tpu.memref_squeeze %dma_wait3A_453 : memref<1x512x64xf32, #tpu.memory_space<vmem>> -> memref<512x64xf32, #tpu.memory_space<vmem>>
        tpu.wait_dma2 semaphore(%run_scoped3A_430 : memref<!tpu.dma_semaphore, #tpu.memory_space<semaphore_mem>>) src(%dma_wait3A_454 : memref<512x64xf32, #tpu.memory_space<vmem>>) dst(%dma_wait3A_450 : memref<512x64xf32, #tpu.memory_space<hbm>>)
        tpu.yield
      }) : () -> ()
      %add3A_300 = arith.constant 2 : i32
      %add3A_301 = arith.addi %mul3A_173, %add3A_300 : i32
      %mul3A_302 = arith.constant 4 : i32
      %mul3A_303 = arith.muli %add3A_301, %mul3A_302 : i32
      %add3A_304 = arith.constant 0 : i32
      %add3A_305 = arith.addi %mul3A_303, %add3A_304 : i32
      %mul3A_306 = arith.constant 128 : i32
      %mul3A_307 = arith.muli %add3A_305, %mul3A_306 : i32
      %dma_start3A_308 = arith.constant 0 : i32
      %dma_start3A_309 = arith.constant 0 : i32
      %dma_start3A_310 = arith.constant 0 : i32
      %dma_start3A_311 = tpu.memref_slice %arg6[%dma_start3A_308, %dma_start3A_309, %dma_start3A_310] : memref<2x512x64xf32, #tpu.memory_space<vmem>> -> memref<1x128x64xf32, #tpu.memory_space<vmem>>
      %dma_start3A_312 = tpu.memref_squeeze %dma_start3A_311 : memref<1x128x64xf32, #tpu.memory_space<vmem>> -> memref<128x64xf32, #tpu.memory_space<vmem>>
      %dma_start3A_313 = tpu.memref_slice %arg5[%mul3A_307] : memref<25600xi32, #tpu.memory_space<vmem>> -> memref<128xi32, #tpu.memory_space<vmem>>
      %dma_start3A_314 = arith.constant 0 : i32
      %dma_start3A_315 = arith.constant 0 : i32
      %dma_start3A_316 = tpu.memref_slice %arg2[%dma_start3A_314, %dma_start3A_315] : memref<1000000x64xf32, #tpu.memory_space<hbm>> -> memref<1000000x64xf32, #tpu.memory_space<hbm>>
      tpu.enqueue_indirect_dma source(%dma_start3A_316 : memref<1000000x64xf32, #tpu.memory_space<hbm>>) target(%dma_start3A_312 : memref<128x64xf32, #tpu.memory_space<vmem>>) offsets(%dma_start3A_313 : memref<128xi32, #tpu.memory_space<vmem>>) semaphore(%arg7 : memref<!tpu.dma_semaphore, #tpu.memory_space<semaphore_mem>>)
      %mul3A_317 = arith.constant 4 : i32
      %mul3A_318 = arith.muli %add3A_301, %mul3A_317 : i32
      %add3A_319 = arith.constant 1 : i32
      %add3A_320 = arith.addi %mul3A_318, %add3A_319 : i32
      %mul3A_321 = arith.constant 128 : i32
      %mul3A_322 = arith.muli %add3A_320, %mul3A_321 : i32
      %dma_start3A_323 = arith.constant 0 : i32
      %dma_start3A_324 = arith.constant 128 : i32
      %dma_start3A_325 = arith.constant 0 : i32
      %dma_start3A_326 = tpu.memref_slice %arg6[%dma_start3A_323, %dma_start3A_324, %dma_start3A_325] : memref<2x512x64xf32, #tpu.memory_space<vmem>> -> memref<1x128x64xf32, #tpu.memory_space<vmem>>
      %dma_start3A_327 = tpu.memref_squeeze %dma_start3A_326 : memref<1x128x64xf32, #tpu.memory_space<vmem>> -> memref<128x64xf32, #tpu.memory_space<vmem>>
      %dma_start3A_328 = tpu.memref_slice %arg5[%mul3A_322] : memref<25600xi32, #tpu.memory_space<vmem>> -> memref<128xi32, #tpu.memory_space<vmem>>
      %dma_start3A_329 = arith.constant 0 : i32
      %dma_start3A_330 = arith.constant 0 : i32
      %dma_start3A_331 = tpu.memref_slice %arg2[%dma_start3A_329, %dma_start3A_330] : memref<1000000x64xf32, #tpu.memory_space<hbm>> -> memref<1000000x64xf32, #tpu.memory_space<hbm>>
      tpu.enqueue_indirect_dma source(%dma_start3A_331 : memref<1000000x64xf32, #tpu.memory_space<hbm>>) target(%dma_start3A_327 : memref<128x64xf32, #tpu.memory_space<vmem>>) offsets(%dma_start3A_328 : memref<128xi32, #tpu.memory_space<vmem>>) semaphore(%arg7 : memref<!tpu.dma_semaphore, #tpu.memory_space<semaphore_mem>>)
      %mul3A_332 = arith.constant 4 : i32
      %mul3A_333 = arith.muli %add3A_301, %mul3A_332 : i32
      %add3A_334 = arith.constant 2 : i32
      %add3A_335 = arith.addi %mul3A_333, %add3A_334 : i32
      %mul3A_336 = arith.constant 128 : i32
      %mul3A_337 = arith.muli %add3A_335, %mul3A_336 : i32
      %dma_start3A_338 = arith.constant 0 : i32
      %dma_start3A_339 = arith.constant 256 : i32
      %dma_start3A_340 = arith.constant 0 : i32
      %dma_start3A_341 = tpu.memref_slice %arg6[%dma_start3A_338, %dma_start3A_339, %dma_start3A_340] : memref<2x512x64xf32, #tpu.memory_space<vmem>> -> memref<1x128x64xf32, #tpu.memory_space<vmem>>
      %dma_start3A_342 = tpu.memref_squeeze %dma_start3A_341 : memref<1x128x64xf32, #tpu.memory_space<vmem>> -> memref<128x64xf32, #tpu.memory_space<vmem>>
      %dma_start3A_343 = tpu.memref_slice %arg5[%mul3A_337] : memref<25600xi32, #tpu.memory_space<vmem>> -> memref<128xi32, #tpu.memory_space<vmem>>
      %dma_start3A_344 = arith.constant 0 : i32
      %dma_start3A_345 = arith.constant 0 : i32
      %dma_start3A_346 = tpu.memref_slice %arg2[%dma_start3A_344, %dma_start3A_345] : memref<1000000x64xf32, #tpu.memory_space<hbm>> -> memref<1000000x64xf32, #tpu.memory_space<hbm>>
      tpu.enqueue_indirect_dma source(%dma_start3A_346 : memref<1000000x64xf32, #tpu.memory_space<hbm>>) target(%dma_start3A_342 : memref<128x64xf32, #tpu.memory_space<vmem>>) offsets(%dma_start3A_343 : memref<128xi32, #tpu.memory_space<vmem>>) semaphore(%arg7 : memref<!tpu.dma_semaphore, #tpu.memory_space<semaphore_mem>>)
      %mul3A_347 = arith.constant 4 : i32
      %mul3A_348 = arith.muli %add3A_301, %mul3A_347 : i32
      %add3A_349 = arith.constant 3 : i32
      %add3A_350 = arith.addi %mul3A_348, %add3A_349 : i32
      %mul3A_351 = arith.constant 128 : i32
      %mul3A_352 = arith.muli %add3A_350, %mul3A_351 : i32
      %dma_start3A_353 = arith.constant 0 : i32
      %dma_start3A_354 = arith.constant 384 : i32
      %dma_start3A_355 = arith.constant 0 : i32
      %dma_start3A_356 = tpu.memref_slice %arg6[%dma_start3A_353, %dma_start3A_354, %dma_start3A_355] : memref<2x512x64xf32, #tpu.memory_space<vmem>> -> memref<1x128x64xf32, #tpu.memory_space<vmem>>
      %dma_start3A_357 = tpu.memref_squeeze %dma_start3A_356 : memref<1x128x64xf32, #tpu.memory_space<vmem>> -> memref<128x64xf32, #tpu.memory_space<vmem>>
      %dma_start3A_358 = tpu.memref_slice %arg5[%mul3A_352] : memref<25600xi32, #tpu.memory_space<vmem>> -> memref<128xi32, #tpu.memory_space<vmem>>
      %dma_start3A_359 = arith.constant 0 : i32
      %dma_start3A_360 = arith.constant 0 : i32
      %dma_start3A_361 = tpu.memref_slice %arg2[%dma_start3A_359, %dma_start3A_360] : memref<1000000x64xf32, #tpu.memory_space<hbm>> -> memref<1000000x64xf32, #tpu.memory_space<hbm>>
      tpu.enqueue_indirect_dma source(%dma_start3A_361 : memref<1000000x64xf32, #tpu.memory_space<hbm>>) target(%dma_start3A_357 : memref<128x64xf32, #tpu.memory_space<vmem>>) offsets(%dma_start3A_358 : memref<128xi32, #tpu.memory_space<vmem>>) semaphore(%arg7 : memref<!tpu.dma_semaphore, #tpu.memory_space<semaphore_mem>>)
      %add3A_362 = arith.constant 1 : i32
      %add3A_363 = arith.addi %mul3A_173, %add3A_362 : i32
      %mul3A_364 = arith.constant 4 : i32
      %mul3A_365 = arith.muli %add3A_363, %mul3A_364 : i32
      %add3A_366 = arith.constant 0 : i32
      %add3A_367 = arith.addi %mul3A_365, %add3A_366 : i32
      %mul3A_368 = arith.constant 128 : i32
      %mul3A_369 = arith.muli %add3A_367, %mul3A_368 : i32
      %dma_wait3A_370 = arith.constant 1 : i32
      %dma_wait3A_371 = arith.constant 0 : i32
      %dma_wait3A_372 = arith.constant 0 : i32
      %dma_wait3A_373 = tpu.memref_slice %arg6[%dma_wait3A_370, %dma_wait3A_371, %dma_wait3A_372] : memref<2x512x64xf32, #tpu.memory_space<vmem>> -> memref<1x128x64xf32, #tpu.memory_space<vmem>>
      %dma_wait3A_374 = tpu.memref_squeeze %dma_wait3A_373 : memref<1x128x64xf32, #tpu.memory_space<vmem>> -> memref<128x64xf32, #tpu.memory_space<vmem>>
      %dma_wait3A_375 = tpu.memref_slice %arg5[%mul3A_369] : memref<25600xi32, #tpu.memory_space<vmem>> -> memref<128xi32, #tpu.memory_space<vmem>>
      %dma_wait3A_376 = arith.constant 0 : i32
      %dma_wait3A_377 = arith.constant 0 : i32
      %dma_wait3A_378 = tpu.memref_slice %arg2[%dma_wait3A_376, %dma_wait3A_377] : memref<1000000x64xf32, #tpu.memory_space<hbm>> -> memref<1000000x64xf32, #tpu.memory_space<hbm>>
      tpu.wait_indirect_dma semaphore(%arg8 : memref<!tpu.dma_semaphore, #tpu.memory_space<semaphore_mem>>) src(%dma_wait3A_378 : memref<1000000x64xf32, #tpu.memory_space<hbm>>) dst(%dma_wait3A_374 : memref<128x64xf32, #tpu.memory_space<vmem>>)
      %mul3A_379 = arith.constant 4 : i32
      %mul3A_380 = arith.muli %add3A_363, %mul3A_379 : i32
      %add3A_381 = arith.constant 1 : i32
      %add3A_382 = arith.addi %mul3A_380, %add3A_381 : i32
      %mul3A_383 = arith.constant 128 : i32
      %mul3A_384 = arith.muli %add3A_382, %mul3A_383 : i32
      %dma_wait3A_385 = arith.constant 1 : i32
      %dma_wait3A_386 = arith.constant 128 : i32
      %dma_wait3A_387 = arith.constant 0 : i32
      %dma_wait3A_388 = tpu.memref_slice %arg6[%dma_wait3A_385, %dma_wait3A_386, %dma_wait3A_387] : memref<2x512x64xf32, #tpu.memory_space<vmem>> -> memref<1x128x64xf32, #tpu.memory_space<vmem>>
      %dma_wait3A_389 = tpu.memref_squeeze %dma_wait3A_388 : memref<1x128x64xf32, #tpu.memory_space<vmem>> -> memref<128x64xf32, #tpu.memory_space<vmem>>
      %dma_wait3A_390 = tpu.memref_slice %arg5[%mul3A_384] : memref<25600xi32, #tpu.memory_space<vmem>> -> memref<128xi32, #tpu.memory_space<vmem>>
      %dma_wait3A_391 = arith.constant 0 : i32
      %dma_wait3A_392 = arith.constant 0 : i32
      %dma_wait3A_393 = tpu.memref_slice %arg2[%dma_wait3A_391, %dma_wait3A_392] : memref<1000000x64xf32, #tpu.memory_space<hbm>> -> memref<1000000x64xf32, #tpu.memory_space<hbm>>
      tpu.wait_indirect_dma semaphore(%arg8 : memref<!tpu.dma_semaphore, #tpu.memory_space<semaphore_mem>>) src(%dma_wait3A_393 : memref<1000000x64xf32, #tpu.memory_space<hbm>>) dst(%dma_wait3A_389 : memref<128x64xf32, #tpu.memory_space<vmem>>)
      %mul3A_394 = arith.constant 4 : i32
      %mul3A_395 = arith.muli %add3A_363, %mul3A_394 : i32
      %add3A_396 = arith.constant 2 : i32
      %add3A_397 = arith.addi %mul3A_395, %add3A_396 : i32
      %mul3A_398 = arith.constant 128 : i32
      %mul3A_399 = arith.muli %add3A_397, %mul3A_398 : i32
      %dma_wait3A_400 = arith.constant 1 : i32
      %dma_wait3A_401 = arith.constant 256 : i32
      %dma_wait3A_402 = arith.constant 0 : i32
      %dma_wait3A_403 = tpu.memref_slice %arg6[%dma_wait3A_400, %dma_wait3A_401, %dma_wait3A_402] : memref<2x512x64xf32, #tpu.memory_space<vmem>> -> memref<1x128x64xf32, #tpu.memory_space<vmem>>
      %dma_wait3A_404 = tpu.memref_squeeze %dma_wait3A_403 : memref<1x128x64xf32, #tpu.memory_space<vmem>> -> memref<128x64xf32, #tpu.memory_space<vmem>>
      %dma_wait3A_405 = tpu.memref_slice %arg5[%mul3A_399] : memref<25600xi32, #tpu.memory_space<vmem>> -> memref<128xi32, #tpu.memory_space<vmem>>
      %dma_wait3A_406 = arith.constant 0 : i32
      %dma_wait3A_407 = arith.constant 0 : i32
      %dma_wait3A_408 = tpu.memref_slice %arg2[%dma_wait3A_406, %dma_wait3A_407] : memref<1000000x64xf32, #tpu.memory_space<hbm>> -> memref<1000000x64xf32, #tpu.memory_space<hbm>>
      tpu.wait_indirect_dma semaphore(%arg8 : memref<!tpu.dma_semaphore, #tpu.memory_space<semaphore_mem>>) src(%dma_wait3A_408 : memref<1000000x64xf32, #tpu.memory_space<hbm>>) dst(%dma_wait3A_404 : memref<128x64xf32, #tpu.memory_space<vmem>>)
      %mul3A_409 = arith.constant 4 : i32
      %mul3A_410 = arith.muli %add3A_363, %mul3A_409 : i32
      %add3A_411 = arith.constant 3 : i32
      %add3A_412 = arith.addi %mul3A_410, %add3A_411 : i32
      %mul3A_413 = arith.constant 128 : i32
      %mul3A_414 = arith.muli %add3A_412, %mul3A_413 : i32
      %dma_wait3A_415 = arith.constant 1 : i32
      %dma_wait3A_416 = arith.constant 384 : i32
      %dma_wait3A_417 = arith.constant 0 : i32
      %dma_wait3A_418 = tpu.memref_slice %arg6[%dma_wait3A_415, %dma_wait3A_416, %dma_wait3A_417] : memref<2x512x64xf32, #tpu.memory_space<vmem>> -> memref<1x128x64xf32, #tpu.memory_space<vmem>>
      %dma_wait3A_419 = tpu.memref_squeeze %dma_wait3A_418 : memref<1x128x64xf32, #tpu.memory_space<vmem>> -> memref<128x64xf32, #tpu.memory_space<vmem>>
      %dma_wait3A_420 = tpu.memref_slice %arg5[%mul3A_414] : memref<25600xi32, #tpu.memory_space<vmem>> -> memref<128xi32, #tpu.memory_space<vmem>>
      %dma_wait3A_421 = arith.constant 0 : i32
      %dma_wait3A_422 = arith.constant 0 : i32
      %dma_wait3A_423 = tpu.memref_slice %arg2[%dma_wait3A_421, %dma_wait3A_422] : memref<1000000x64xf32, #tpu.memory_space<hbm>> -> memref<1000000x64xf32, #tpu.memory_space<hbm>>
      tpu.wait_indirect_dma semaphore(%arg8 : memref<!tpu.dma_semaphore, #tpu.memory_space<semaphore_mem>>) src(%dma_wait3A_423 : memref<1000000x64xf32, #tpu.memory_space<hbm>>) dst(%dma_wait3A_419 : memref<128x64xf32, #tpu.memory_space<vmem>>)
      %add3A_424 = arith.constant 1 : i32
      %add3A_425 = arith.addi %mul3A_173, %add3A_424 : i32
      %mul3A_426 = arith.constant 512 : i32
      %mul3A_427 = arith.muli %add3A_425, %mul3A_426 : i32
      %add3A_428 = arith.addi %mul3A_2, %mul3A_427 : i32
      %run_scoped3A_429 = arith.constant 1 : i32
      "tpu.region"() ({
        %run_scoped3A_430 = tpu.sem_alloc : memref<!tpu.dma_semaphore, #tpu.memory_space<semaphore_mem>>
        %dma_start3A_431 = arith.constant 0 : i32
        %dma_start3A_432 = arith.constant 0 : i32
        %dma_start3A_433 = tpu.memref_slice %arg6[%run_scoped3A_429, %dma_start3A_431, %dma_start3A_432] : memref<2x512x64xf32, #tpu.memory_space<vmem>> -> memref<1x512x64xf32, #tpu.memory_space<vmem>>
        %dma_start3A_434 = tpu.memref_squeeze %dma_start3A_433 : memref<1x512x64xf32, #tpu.memory_space<vmem>> -> memref<512x64xf32, #tpu.memory_space<vmem>>
        %dma_start3A_435 = arith.constant 0 : i32
        %dma_start3A_436 = tpu.memref_slice %arg4[%add3A_428, %dma_start3A_435] : memref<819200x64xf32, #tpu.memory_space<hbm>> -> memref<512x64xf32, #tpu.memory_space<hbm>>
        %dma_start3A_437 = arith.constant 0 : i32
        %dma_start3A_438 = tpu.memref_slice %arg4[%add3A_428, %dma_start3A_437] : memref<819200x64xf32, #tpu.memory_space<hbm>> -> memref<512x64xf32, #tpu.memory_space<hbm>>
        %dma_start3A_439 = arith.constant 0 : i32
        %dma_start3A_440 = arith.constant 0 : i32
        %dma_start3A_441 = tpu.memref_slice %arg6[%run_scoped3A_429, %dma_start3A_439, %dma_start3A_440] : memref<2x512x64xf32, #tpu.memory_space<vmem>> -> memref<1x512x64xf32, #tpu.memory_space<vmem>>
        %dma_start3A_442 = tpu.memref_squeeze %dma_start3A_441 : memref<1x512x64xf32, #tpu.memory_space<vmem>> -> memref<512x64xf32, #tpu.memory_space<vmem>>
        tpu.enqueue_dma source(%dma_start3A_442 : memref<512x64xf32, #tpu.memory_space<vmem>>) target(%dma_start3A_438 : memref<512x64xf32, #tpu.memory_space<hbm>>) target_semaphore(%run_scoped3A_430 : memref<!tpu.dma_semaphore, #tpu.memory_space<semaphore_mem>>)
        %dma_wait3A_443 = arith.constant 0 : i32
        %dma_wait3A_444 = arith.constant 0 : i32
        %dma_wait3A_445 = tpu.memref_slice %arg6[%run_scoped3A_429, %dma_wait3A_443, %dma_wait3A_444] : memref<2x512x64xf32, #tpu.memory_space<vmem>> -> memref<1x512x64xf32, #tpu.memory_space<vmem>>
        %dma_wait3A_446 = tpu.memref_squeeze %dma_wait3A_445 : memref<1x512x64xf32, #tpu.memory_space<vmem>> -> memref<512x64xf32, #tpu.memory_space<vmem>>
        %dma_wait3A_447 = arith.constant 0 : i32
        %dma_wait3A_448 = tpu.memref_slice %arg4[%add3A_428, %dma_wait3A_447] : memref<819200x64xf32, #tpu.memory_space<hbm>> -> memref<512x64xf32, #tpu.memory_space<hbm>>
        %dma_wait3A_449 = arith.constant 0 : i32
        %dma_wait3A_450 = tpu.memref_slice %arg4[%add3A_428, %dma_wait3A_449] : memref<819200x64xf32, #tpu.memory_space<hbm>> -> memref<512x64xf32, #tpu.memory_space<hbm>>
        %dma_wait3A_451 = arith.constant 0 : i32
        %dma_wait3A_452 = arith.constant 0 : i32
        %dma_wait3A_453 = tpu.memref_slice %arg6[%run_scoped3A_429, %dma_wait3A_451, %dma_wait3A_452] : memref<2x512x64xf32, #tpu.memory_space<vmem>> -> memref<1x512x64xf32, #tpu.memory_space<vmem>>
        %dma_wait3A_454 = tpu.memref_squeeze %dma_wait3A_453 : memref<1x512x64xf32, #tpu.memory_space<vmem>> -> memref<512x64xf32, #tpu.memory_space<vmem>>
        tpu.wait_dma2 semaphore(%run_scoped3A_430 : memref<!tpu.dma_semaphore, #tpu.memory_space<semaphore_mem>>) src(%dma_wait3A_454 : memref<512x64xf32, #tpu.memory_space<vmem>>) dst(%dma_wait3A_450 : memref<512x64xf32, #tpu.memory_space<hbm>>)
        tpu.yield
      }) : () -> ()
    }
    %scan3A_46 = arith.constant 24 : i32
    %dma_start3A_47 = arith.constant 1 : i32
    %dma_start3A_48 = arith.constant 0 : i32
    %dma_start3A_49 = arith.constant 0 : i32
    %dma_start3A_50 = tpu.memref_slice %arg6[%dma_start3A_47, %dma_start3A_48, %dma_start3A_49] : memref<2x512x64xf32, #tpu.memory_space<vmem>> -> memref<1x128x64xf32, #tpu.memory_space<vmem>>
    %dma_start3A_51 = tpu.memref_squeeze %dma_start3A_50 : memref<1x128x64xf32, #tpu.memory_space<vmem>> -> memref<128x64xf32, #tpu.memory_space<vmem>>
    %dma_start3A_52 = arith.constant 25088 : i32
    %dma_start3A_53 = tpu.memref_slice %arg5[%dma_start3A_52] : memref<25600xi32, #tpu.memory_space<vmem>> -> memref<128xi32, #tpu.memory_space<vmem>>
    %dma_start3A_54 = arith.constant 0 : i32
    %dma_start3A_55 = arith.constant 0 : i32
    %dma_start3A_56 = tpu.memref_slice %arg2[%dma_start3A_54, %dma_start3A_55] : memref<1000000x64xf32, #tpu.memory_space<hbm>> -> memref<1000000x64xf32, #tpu.memory_space<hbm>>
    tpu.enqueue_indirect_dma source(%dma_start3A_56 : memref<1000000x64xf32, #tpu.memory_space<hbm>>) target(%dma_start3A_51 : memref<128x64xf32, #tpu.memory_space<vmem>>) offsets(%dma_start3A_53 : memref<128xi32, #tpu.memory_space<vmem>>) semaphore(%arg8 : memref<!tpu.dma_semaphore, #tpu.memory_space<semaphore_mem>>)
    %dma_start3A_57 = arith.constant 1 : i32
    %dma_start3A_58 = arith.constant 128 : i32
    %dma_start3A_59 = arith.constant 0 : i32
    %dma_start3A_60 = tpu.memref_slice %arg6[%dma_start3A_57, %dma_start3A_58, %dma_start3A_59] : memref<2x512x64xf32, #tpu.memory_space<vmem>> -> memref<1x128x64xf32, #tpu.memory_space<vmem>>
    %dma_start3A_61 = tpu.memref_squeeze %dma_start3A_60 : memref<1x128x64xf32, #tpu.memory_space<vmem>> -> memref<128x64xf32, #tpu.memory_space<vmem>>
    %dma_start3A_62 = arith.constant 25216 : i32
    %dma_start3A_63 = tpu.memref_slice %arg5[%dma_start3A_62] : memref<25600xi32, #tpu.memory_space<vmem>> -> memref<128xi32, #tpu.memory_space<vmem>>
    %dma_start3A_64 = arith.constant 0 : i32
    %dma_start3A_65 = arith.constant 0 : i32
    %dma_start3A_66 = tpu.memref_slice %arg2[%dma_start3A_64, %dma_start3A_65] : memref<1000000x64xf32, #tpu.memory_space<hbm>> -> memref<1000000x64xf32, #tpu.memory_space<hbm>>
    tpu.enqueue_indirect_dma source(%dma_start3A_66 : memref<1000000x64xf32, #tpu.memory_space<hbm>>) target(%dma_start3A_61 : memref<128x64xf32, #tpu.memory_space<vmem>>) offsets(%dma_start3A_63 : memref<128xi32, #tpu.memory_space<vmem>>) semaphore(%arg8 : memref<!tpu.dma_semaphore, #tpu.memory_space<semaphore_mem>>)
    %dma_start3A_67 = arith.constant 1 : i32
    %dma_start3A_68 = arith.constant 256 : i32
    %dma_start3A_69 = arith.constant 0 : i32
    %dma_start3A_70 = tpu.memref_slice %arg6[%dma_start3A_67, %dma_start3A_68, %dma_start3A_69] : memref<2x512x64xf32, #tpu.memory_space<vmem>> -> memref<1x128x64xf32, #tpu.memory_space<vmem>>
    %dma_start3A_71 = tpu.memref_squeeze %dma_start3A_70 : memref<1x128x64xf32, #tpu.memory_space<vmem>> -> memref<128x64xf32, #tpu.memory_space<vmem>>
    %dma_start3A_72 = arith.constant 25344 : i32
    %dma_start3A_73 = tpu.memref_slice %arg5[%dma_start3A_72] : memref<25600xi32, #tpu.memory_space<vmem>> -> memref<128xi32, #tpu.memory_space<vmem>>
    %dma_start3A_74 = arith.constant 0 : i32
    %dma_start3A_75 = arith.constant 0 : i32
    %dma_start3A_76 = tpu.memref_slice %arg2[%dma_start3A_74, %dma_start3A_75] : memref<1000000x64xf32, #tpu.memory_space<hbm>> -> memref<1000000x64xf32, #tpu.memory_space<hbm>>
    tpu.enqueue_indirect_dma source(%dma_start3A_76 : memref<1000000x64xf32, #tpu.memory_space<hbm>>) target(%dma_start3A_71 : memref<128x64xf32, #tpu.memory_space<vmem>>) offsets(%dma_start3A_73 : memref<128xi32, #tpu.memory_space<vmem>>) semaphore(%arg8 : memref<!tpu.dma_semaphore, #tpu.memory_space<semaphore_mem>>)
    %dma_start3A_77 = arith.constant 1 : i32
    %dma_start3A_78 = arith.constant 384 : i32
    %dma_start3A_79 = arith.constant 0 : i32
    %dma_start3A_80 = tpu.memref_slice %arg6[%dma_start3A_77, %dma_start3A_78, %dma_start3A_79] : memref<2x512x64xf32, #tpu.memory_space<vmem>> -> memref<1x128x64xf32, #tpu.memory_space<vmem>>
    %dma_start3A_81 = tpu.memref_squeeze %dma_start3A_80 : memref<1x128x64xf32, #tpu.memory_space<vmem>> -> memref<128x64xf32, #tpu.memory_space<vmem>>
    %dma_start3A_82 = arith.constant 25472 : i32
    %dma_start3A_83 = tpu.memref_slice %arg5[%dma_start3A_82] : memref<25600xi32, #tpu.memory_space<vmem>> -> memref<128xi32, #tpu.memory_space<vmem>>
    %dma_start3A_84 = arith.constant 0 : i32
    %dma_start3A_85 = arith.constant 0 : i32
    %dma_start3A_86 = tpu.memref_slice %arg2[%dma_start3A_84, %dma_start3A_85] : memref<1000000x64xf32, #tpu.memory_space<hbm>> -> memref<1000000x64xf32, #tpu.memory_space<hbm>>
    tpu.enqueue_indirect_dma source(%dma_start3A_86 : memref<1000000x64xf32, #tpu.memory_space<hbm>>) target(%dma_start3A_81 : memref<128x64xf32, #tpu.memory_space<vmem>>) offsets(%dma_start3A_83 : memref<128xi32, #tpu.memory_space<vmem>>) semaphore(%arg8 : memref<!tpu.dma_semaphore, #tpu.memory_space<semaphore_mem>>)
    %dma_wait3A = arith.constant 0 : i32
    %dma_wait3A_87 = arith.constant 0 : i32
    %dma_wait3A_88 = arith.constant 0 : i32
    %dma_wait3A_89 = tpu.memref_slice %arg6[%dma_wait3A, %dma_wait3A_87, %dma_wait3A_88] : memref<2x512x64xf32, #tpu.memory_space<vmem>> -> memref<1x128x64xf32, #tpu.memory_space<vmem>>
    %dma_wait3A_90 = tpu.memref_squeeze %dma_wait3A_89 : memref<1x128x64xf32, #tpu.memory_space<vmem>> -> memref<128x64xf32, #tpu.memory_space<vmem>>
    %dma_wait3A_91 = arith.constant 24576 : i32
    %dma_wait3A_92 = tpu.memref_slice %arg5[%dma_wait3A_91] : memref<25600xi32, #tpu.memory_space<vmem>> -> memref<128xi32, #tpu.memory_space<vmem>>
    %dma_wait3A_93 = arith.constant 0 : i32
    %dma_wait3A_94 = arith.constant 0 : i32
    %dma_wait3A_95 = tpu.memref_slice %arg2[%dma_wait3A_93, %dma_wait3A_94] : memref<1000000x64xf32, #tpu.memory_space<hbm>> -> memref<1000000x64xf32, #tpu.memory_space<hbm>>
    tpu.wait_indirect_dma semaphore(%arg7 : memref<!tpu.dma_semaphore, #tpu.memory_space<semaphore_mem>>) src(%dma_wait3A_95 : memref<1000000x64xf32, #tpu.memory_space<hbm>>) dst(%dma_wait3A_90 : memref<128x64xf32, #tpu.memory_space<vmem>>)
    %dma_wait3A_96 = arith.constant 0 : i32
    %dma_wait3A_97 = arith.constant 128 : i32
    %dma_wait3A_98 = arith.constant 0 : i32
    %dma_wait3A_99 = tpu.memref_slice %arg6[%dma_wait3A_96, %dma_wait3A_97, %dma_wait3A_98] : memref<2x512x64xf32, #tpu.memory_space<vmem>> -> memref<1x128x64xf32, #tpu.memory_space<vmem>>
    %dma_wait3A_100 = tpu.memref_squeeze %dma_wait3A_99 : memref<1x128x64xf32, #tpu.memory_space<vmem>> -> memref<128x64xf32, #tpu.memory_space<vmem>>
    %dma_wait3A_101 = arith.constant 24704 : i32
    %dma_wait3A_102 = tpu.memref_slice %arg5[%dma_wait3A_101] : memref<25600xi32, #tpu.memory_space<vmem>> -> memref<128xi32, #tpu.memory_space<vmem>>
    %dma_wait3A_103 = arith.constant 0 : i32
    %dma_wait3A_104 = arith.constant 0 : i32
    %dma_wait3A_105 = tpu.memref_slice %arg2[%dma_wait3A_103, %dma_wait3A_104] : memref<1000000x64xf32, #tpu.memory_space<hbm>> -> memref<1000000x64xf32, #tpu.memory_space<hbm>>
    tpu.wait_indirect_dma semaphore(%arg7 : memref<!tpu.dma_semaphore, #tpu.memory_space<semaphore_mem>>) src(%dma_wait3A_105 : memref<1000000x64xf32, #tpu.memory_space<hbm>>) dst(%dma_wait3A_100 : memref<128x64xf32, #tpu.memory_space<vmem>>)
    %dma_wait3A_106 = arith.constant 0 : i32
    %dma_wait3A_107 = arith.constant 256 : i32
    %dma_wait3A_108 = arith.constant 0 : i32
    %dma_wait3A_109 = tpu.memref_slice %arg6[%dma_wait3A_106, %dma_wait3A_107, %dma_wait3A_108] : memref<2x512x64xf32, #tpu.memory_space<vmem>> -> memref<1x128x64xf32, #tpu.memory_space<vmem>>
    %dma_wait3A_110 = tpu.memref_squeeze %dma_wait3A_109 : memref<1x128x64xf32, #tpu.memory_space<vmem>> -> memref<128x64xf32, #tpu.memory_space<vmem>>
    %dma_wait3A_111 = arith.constant 24832 : i32
    %dma_wait3A_112 = tpu.memref_slice %arg5[%dma_wait3A_111] : memref<25600xi32, #tpu.memory_space<vmem>> -> memref<128xi32, #tpu.memory_space<vmem>>
    %dma_wait3A_113 = arith.constant 0 : i32
    %dma_wait3A_114 = arith.constant 0 : i32
    %dma_wait3A_115 = tpu.memref_slice %arg2[%dma_wait3A_113, %dma_wait3A_114] : memref<1000000x64xf32, #tpu.memory_space<hbm>> -> memref<1000000x64xf32, #tpu.memory_space<hbm>>
    tpu.wait_indirect_dma semaphore(%arg7 : memref<!tpu.dma_semaphore, #tpu.memory_space<semaphore_mem>>) src(%dma_wait3A_115 : memref<1000000x64xf32, #tpu.memory_space<hbm>>) dst(%dma_wait3A_110 : memref<128x64xf32, #tpu.memory_space<vmem>>)
    %dma_wait3A_116 = arith.constant 0 : i32
    %dma_wait3A_117 = arith.constant 384 : i32
    %dma_wait3A_118 = arith.constant 0 : i32
    %dma_wait3A_119 = tpu.memref_slice %arg6[%dma_wait3A_116, %dma_wait3A_117, %dma_wait3A_118] : memref<2x512x64xf32, #tpu.memory_space<vmem>> -> memref<1x128x64xf32, #tpu.memory_space<vmem>>
    %dma_wait3A_120 = tpu.memref_squeeze %dma_wait3A_119 : memref<1x128x64xf32, #tpu.memory_space<vmem>> -> memref<128x64xf32, #tpu.memory_space<vmem>>
    %dma_wait3A_121 = arith.constant 24960 : i32
    %dma_wait3A_122 = tpu.memref_slice %arg5[%dma_wait3A_121] : memref<25600xi32, #tpu.memory_space<vmem>> -> memref<128xi32, #tpu.memory_space<vmem>>
    %dma_wait3A_123 = arith.constant 0 : i32
    %dma_wait3A_124 = arith.constant 0 : i32
    %dma_wait3A_125 = tpu.memref_slice %arg2[%dma_wait3A_123, %dma_wait3A_124] : memref<1000000x64xf32, #tpu.memory_space<hbm>> -> memref<1000000x64xf32, #tpu.memory_space<hbm>>
    tpu.wait_indirect_dma semaphore(%arg7 : memref<!tpu.dma_semaphore, #tpu.memory_space<semaphore_mem>>) src(%dma_wait3A_125 : memref<1000000x64xf32, #tpu.memory_space<hbm>>) dst(%dma_wait3A_120 : memref<128x64xf32, #tpu.memory_space<vmem>>)
    %add3A_126 = arith.constant 24576 : i32
    %add3A_127 = arith.addi %mul3A_2, %add3A_126 : i32
    %run_scoped3A = arith.constant 0 : i32
    "tpu.region"() ({
      %run_scoped3A_171 = tpu.sem_alloc : memref<!tpu.dma_semaphore, #tpu.memory_space<semaphore_mem>>
      %dma_start3A_172 = arith.constant 0 : i32
      %dma_start3A_173 = arith.constant 0 : i32
      %dma_start3A_174 = tpu.memref_slice %arg6[%run_scoped3A, %dma_start3A_172, %dma_start3A_173] : memref<2x512x64xf32, #tpu.memory_space<vmem>> -> memref<1x512x64xf32, #tpu.memory_space<vmem>>
      %dma_start3A_175 = tpu.memref_squeeze %dma_start3A_174 : memref<1x512x64xf32, #tpu.memory_space<vmem>> -> memref<512x64xf32, #tpu.memory_space<vmem>>
      %dma_start3A_176 = arith.constant 0 : i32
      %dma_start3A_177 = tpu.memref_slice %arg4[%add3A_127, %dma_start3A_176] : memref<819200x64xf32, #tpu.memory_space<hbm>> -> memref<512x64xf32, #tpu.memory_space<hbm>>
      %dma_start3A_178 = arith.constant 0 : i32
      %dma_start3A_179 = tpu.memref_slice %arg4[%add3A_127, %dma_start3A_178] : memref<819200x64xf32, #tpu.memory_space<hbm>> -> memref<512x64xf32, #tpu.memory_space<hbm>>
      %dma_start3A_180 = arith.constant 0 : i32
      %dma_start3A_181 = arith.constant 0 : i32
      %dma_start3A_182 = tpu.memref_slice %arg6[%run_scoped3A, %dma_start3A_180, %dma_start3A_181] : memref<2x512x64xf32, #tpu.memory_space<vmem>> -> memref<1x512x64xf32, #tpu.memory_space<vmem>>
      %dma_start3A_183 = tpu.memref_squeeze %dma_start3A_182 : memref<1x512x64xf32, #tpu.memory_space<vmem>> -> memref<512x64xf32, #tpu.memory_space<vmem>>
      tpu.enqueue_dma source(%dma_start3A_183 : memref<512x64xf32, #tpu.memory_space<vmem>>) target(%dma_start3A_179 : memref<512x64xf32, #tpu.memory_space<hbm>>) target_semaphore(%run_scoped3A_171 : memref<!tpu.dma_semaphore, #tpu.memory_space<semaphore_mem>>)
      %dma_wait3A_184 = arith.constant 0 : i32
      %dma_wait3A_185 = arith.constant 0 : i32
      %dma_wait3A_186 = tpu.memref_slice %arg6[%run_scoped3A, %dma_wait3A_184, %dma_wait3A_185] : memref<2x512x64xf32, #tpu.memory_space<vmem>> -> memref<1x512x64xf32, #tpu.memory_space<vmem>>
      %dma_wait3A_187 = tpu.memref_squeeze %dma_wait3A_186 : memref<1x512x64xf32, #tpu.memory_space<vmem>> -> memref<512x64xf32, #tpu.memory_space<vmem>>
      %dma_wait3A_188 = arith.constant 0 : i32
      %dma_wait3A_189 = tpu.memref_slice %arg4[%add3A_127, %dma_wait3A_188] : memref<819200x64xf32, #tpu.memory_space<hbm>> -> memref<512x64xf32, #tpu.memory_space<hbm>>
      %dma_wait3A_190 = arith.constant 0 : i32
      %dma_wait3A_191 = tpu.memref_slice %arg4[%add3A_127, %dma_wait3A_190] : memref<819200x64xf32, #tpu.memory_space<hbm>> -> memref<512x64xf32, #tpu.memory_space<hbm>>
      %dma_wait3A_192 = arith.constant 0 : i32
      %dma_wait3A_193 = arith.constant 0 : i32
      %dma_wait3A_194 = tpu.memref_slice %arg6[%run_scoped3A, %dma_wait3A_192, %dma_wait3A_193] : memref<2x512x64xf32, #tpu.memory_space<vmem>> -> memref<1x512x64xf32, #tpu.memory_space<vmem>>
      %dma_wait3A_195 = tpu.memref_squeeze %dma_wait3A_194 : memref<1x512x64xf32, #tpu.memory_space<vmem>> -> memref<512x64xf32, #tpu.memory_space<vmem>>
      tpu.wait_dma2 semaphore(%run_scoped3A_171 : memref<!tpu.dma_semaphore, #tpu.memory_space<semaphore_mem>>) src(%dma_wait3A_195 : memref<512x64xf32, #tpu.memory_space<vmem>>) dst(%dma_wait3A_191 : memref<512x64xf32, #tpu.memory_space<hbm>>)
      tpu.yield
    }) : () -> ()
    %dma_wait3A_128 = arith.constant 1 : i32
    %dma_wait3A_129 = arith.constant 0 : i32
    %dma_wait3A_130 = arith.constant 0 : i32
    %dma_wait3A_131 = tpu.memref_slice %arg6[%dma_wait3A_128, %dma_wait3A_129, %dma_wait3A_130] : memref<2x512x64xf32, #tpu.memory_space<vmem>> -> memref<1x128x64xf32, #tpu.memory_space<vmem>>
    %dma_wait3A_132 = tpu.memref_squeeze %dma_wait3A_131 : memref<1x128x64xf32, #tpu.memory_space<vmem>> -> memref<128x64xf32, #tpu.memory_space<vmem>>
    %dma_wait3A_133 = arith.constant 25088 : i32
    %dma_wait3A_134 = tpu.memref_slice %arg5[%dma_wait3A_133] : memref<25600xi32, #tpu.memory_space<vmem>> -> memref<128xi32, #tpu.memory_space<vmem>>
    %dma_wait3A_135 = arith.constant 0 : i32
    %dma_wait3A_136 = arith.constant 0 : i32
    %dma_wait3A_137 = tpu.memref_slice %arg2[%dma_wait3A_135, %dma_wait3A_136] : memref<1000000x64xf32, #tpu.memory_space<hbm>> -> memref<1000000x64xf32, #tpu.memory_space<hbm>>
    tpu.wait_indirect_dma semaphore(%arg8 : memref<!tpu.dma_semaphore, #tpu.memory_space<semaphore_mem>>) src(%dma_wait3A_137 : memref<1000000x64xf32, #tpu.memory_space<hbm>>) dst(%dma_wait3A_132 : memref<128x64xf32, #tpu.memory_space<vmem>>)
    %dma_wait3A_138 = arith.constant 1 : i32
    %dma_wait3A_139 = arith.constant 128 : i32
    %dma_wait3A_140 = arith.constant 0 : i32
    %dma_wait3A_141 = tpu.memref_slice %arg6[%dma_wait3A_138, %dma_wait3A_139, %dma_wait3A_140] : memref<2x512x64xf32, #tpu.memory_space<vmem>> -> memref<1x128x64xf32, #tpu.memory_space<vmem>>
    %dma_wait3A_142 = tpu.memref_squeeze %dma_wait3A_141 : memref<1x128x64xf32, #tpu.memory_space<vmem>> -> memref<128x64xf32, #tpu.memory_space<vmem>>
    %dma_wait3A_143 = arith.constant 25216 : i32
    %dma_wait3A_144 = tpu.memref_slice %arg5[%dma_wait3A_143] : memref<25600xi32, #tpu.memory_space<vmem>> -> memref<128xi32, #tpu.memory_space<vmem>>
    %dma_wait3A_145 = arith.constant 0 : i32
    %dma_wait3A_146 = arith.constant 0 : i32
    %dma_wait3A_147 = tpu.memref_slice %arg2[%dma_wait3A_145, %dma_wait3A_146] : memref<1000000x64xf32, #tpu.memory_space<hbm>> -> memref<1000000x64xf32, #tpu.memory_space<hbm>>
    tpu.wait_indirect_dma semaphore(%arg8 : memref<!tpu.dma_semaphore, #tpu.memory_space<semaphore_mem>>) src(%dma_wait3A_147 : memref<1000000x64xf32, #tpu.memory_space<hbm>>) dst(%dma_wait3A_142 : memref<128x64xf32, #tpu.memory_space<vmem>>)
    %dma_wait3A_148 = arith.constant 1 : i32
    %dma_wait3A_149 = arith.constant 256 : i32
    %dma_wait3A_150 = arith.constant 0 : i32
    %dma_wait3A_151 = tpu.memref_slice %arg6[%dma_wait3A_148, %dma_wait3A_149, %dma_wait3A_150] : memref<2x512x64xf32, #tpu.memory_space<vmem>> -> memref<1x128x64xf32, #tpu.memory_space<vmem>>
    %dma_wait3A_152 = tpu.memref_squeeze %dma_wait3A_151 : memref<1x128x64xf32, #tpu.memory_space<vmem>> -> memref<128x64xf32, #tpu.memory_space<vmem>>
    %dma_wait3A_153 = arith.constant 25344 : i32
    %dma_wait3A_154 = tpu.memref_slice %arg5[%dma_wait3A_153] : memref<25600xi32, #tpu.memory_space<vmem>> -> memref<128xi32, #tpu.memory_space<vmem>>
    %dma_wait3A_155 = arith.constant 0 : i32
    %dma_wait3A_156 = arith.constant 0 : i32
    %dma_wait3A_157 = tpu.memref_slice %arg2[%dma_wait3A_155, %dma_wait3A_156] : memref<1000000x64xf32, #tpu.memory_space<hbm>> -> memref<1000000x64xf32, #tpu.memory_space<hbm>>
    tpu.wait_indirect_dma semaphore(%arg8 : memref<!tpu.dma_semaphore, #tpu.memory_space<semaphore_mem>>) src(%dma_wait3A_157 : memref<1000000x64xf32, #tpu.memory_space<hbm>>) dst(%dma_wait3A_152 : memref<128x64xf32, #tpu.memory_space<vmem>>)
    %dma_wait3A_158 = arith.constant 1 : i32
    %dma_wait3A_159 = arith.constant 384 : i32
    %dma_wait3A_160 = arith.constant 0 : i32
    %dma_wait3A_161 = tpu.memref_slice %arg6[%dma_wait3A_158, %dma_wait3A_159, %dma_wait3A_160] : memref<2x512x64xf32, #tpu.memory_space<vmem>> -> memref<1x128x64xf32, #tpu.memory_space<vmem>>
    %dma_wait3A_162 = tpu.memref_squeeze %dma_wait3A_161 : memref<1x128x64xf32, #tpu.memory_space<vmem>> -> memref<128x64xf32, #tpu.memory_space<vmem>>
    %dma_wait3A_163 = arith.constant 25472 : i32
    %dma_wait3A_164 = tpu.memref_slice %arg5[%dma_wait3A_163] : memref<25600xi32, #tpu.memory_space<vmem>> -> memref<128xi32, #tpu.memory_space<vmem>>
    %dma_wait3A_165 = arith.constant 0 : i32
    %dma_wait3A_166 = arith.constant 0 : i32
    %dma_wait3A_167 = tpu.memref_slice %arg2[%dma_wait3A_165, %dma_wait3A_166] : memref<1000000x64xf32, #tpu.memory_space<hbm>> -> memref<1000000x64xf32, #tpu.memory_space<hbm>>
    tpu.wait_indirect_dma semaphore(%arg8 : memref<!tpu.dma_semaphore, #tpu.memory_space<semaphore_mem>>) src(%dma_wait3A_167 : memref<1000000x64xf32, #tpu.memory_space<hbm>>) dst(%dma_wait3A_162 : memref<128x64xf32, #tpu.memory_space<vmem>>)
    %add3A_168 = arith.constant 25088 : i32
    %add3A_169 = arith.addi %mul3A_2, %add3A_168 : i32
    %run_scoped3A_170 = arith.constant 1 : i32
    "tpu.region"() ({
      %run_scoped3A_171 = tpu.sem_alloc : memref<!tpu.dma_semaphore, #tpu.memory_space<semaphore_mem>>
      %dma_start3A_172 = arith.constant 0 : i32
      %dma_start3A_173 = arith.constant 0 : i32
      %dma_start3A_174 = tpu.memref_slice %arg6[%run_scoped3A_170, %dma_start3A_172, %dma_start3A_173] : memref<2x512x64xf32, #tpu.memory_space<vmem>> -> memref<1x512x64xf32, #tpu.memory_space<vmem>>
      %dma_start3A_175 = tpu.memref_squeeze %dma_start3A_174 : memref<1x512x64xf32, #tpu.memory_space<vmem>> -> memref<512x64xf32, #tpu.memory_space<vmem>>
      %dma_start3A_176 = arith.constant 0 : i32
      %dma_start3A_177 = tpu.memref_slice %arg4[%add3A_169, %dma_start3A_176] : memref<819200x64xf32, #tpu.memory_space<hbm>> -> memref<512x64xf32, #tpu.memory_space<hbm>>
      %dma_start3A_178 = arith.constant 0 : i32
      %dma_start3A_179 = tpu.memref_slice %arg4[%add3A_169, %dma_start3A_178] : memref<819200x64xf32, #tpu.memory_space<hbm>> -> memref<512x64xf32, #tpu.memory_space<hbm>>
      %dma_start3A_180 = arith.constant 0 : i32
      %dma_start3A_181 = arith.constant 0 : i32
      %dma_start3A_182 = tpu.memref_slice %arg6[%run_scoped3A_170, %dma_start3A_180, %dma_start3A_181] : memref<2x512x64xf32, #tpu.memory_space<vmem>> -> memref<1x512x64xf32, #tpu.memory_space<vmem>>
      %dma_start3A_183 = tpu.memref_squeeze %dma_start3A_182 : memref<1x512x64xf32, #tpu.memory_space<vmem>> -> memref<512x64xf32, #tpu.memory_space<vmem>>
      tpu.enqueue_dma source(%dma_start3A_183 : memref<512x64xf32, #tpu.memory_space<vmem>>) target(%dma_start3A_179 : memref<512x64xf32, #tpu.memory_space<hbm>>) target_semaphore(%run_scoped3A_171 : memref<!tpu.dma_semaphore, #tpu.memory_space<semaphore_mem>>)
      %dma_wait3A_184 = arith.constant 0 : i32
      %dma_wait3A_185 = arith.constant 0 : i32
      %dma_wait3A_186 = tpu.memref_slice %arg6[%run_scoped3A_170, %dma_wait3A_184, %dma_wait3A_185] : memref<2x512x64xf32, #tpu.memory_space<vmem>> -> memref<1x512x64xf32, #tpu.memory_space<vmem>>
      %dma_wait3A_187 = tpu.memref_squeeze %dma_wait3A_186 : memref<1x512x64xf32, #tpu.memory_space<vmem>> -> memref<512x64xf32, #tpu.memory_space<vmem>>
      %dma_wait3A_188 = arith.constant 0 : i32
      %dma_wait3A_189 = tpu.memref_slice %arg4[%add3A_169, %dma_wait3A_188] : memref<819200x64xf32, #tpu.memory_space<hbm>> -> memref<512x64xf32, #tpu.memory_space<hbm>>
      %dma_wait3A_190 = arith.constant 0 : i32
      %dma_wait3A_191 = tpu.memref_slice %arg4[%add3A_169, %dma_wait3A_190] : memref<819200x64xf32, #tpu.memory_space<hbm>> -> memref<512x64xf32, #tpu.memory_space<hbm>>
      %dma_wait3A_192 = arith.constant 0 : i32
      %dma_wait3A_193 = arith.constant 0 : i32
      %dma_wait3A_194 = tpu.memref_slice %arg6[%run_scoped3A_170, %dma_wait3A_192, %dma_wait3A_193] : memref<2x512x64xf32, #tpu.memory_space<vmem>> -> memref<1x512x64xf32, #tpu.memory_space<vmem>>
      %dma_wait3A_195 = tpu.memref_squeeze %dma_wait3A_194 : memref<1x512x64xf32, #tpu.memory_space<vmem>> -> memref<512x64xf32, #tpu.memory_space<vmem>>
      tpu.wait_dma2 semaphore(%run_scoped3A_171 : memref<!tpu.dma_semaphore, #tpu.memory_space<semaphore_mem>>) src(%dma_wait3A_195 : memref<512x64xf32, #tpu.memory_space<vmem>>) dst(%dma_wait3A_191 : memref<512x64xf32, #tpu.memory_space<hbm>>)
      tpu.yield
    }) : () -> ()
    return
  }
}

</mosaic_0001>

<sc_bundles>
// kernel: kernel.3.cloned.1.call-start
scs
__scs_entry_jumppad:
0x0: {  	(pc) =	sbr.rel $0x88, $3  }
0x1: {  	(tag) =	ssettag $0x0;
	lr =	simm.s32 $0x1  }
0x2: {  	[smem:$0x3F9F] =	sst lr;
	_ =	strace $0xD0000000  }
0x3: {  	_ = 	snop  }
0x4: {  	_ = 	snop  }
0x5: {  	_ = 	snop  }
0x6: {  	_ = 	snop  }
0x7: {  	_ = 	snop  }
__scs_overlays_trampoline_lowered:
0x8: {  	[smem:$0x3FAE] =	sst s0  }
0x9: {  	[smem:$0x3FAF] =	sst s1  }
0xa: {  	[smem:$0x3FB0] =	sst s2  }
0xb: {  	[smem:$0x3FB1] =	sst s3  }
0xc: {  	[smem:$0x3FB2] =	sst s4  }
0xd: {  	[smem:$0x3FB3] =	sst s5  }
0xe: {  	[smem:$0x3FB4] =	sst s6  }
0xf: {  	[smem:$0x3FB5] =	sst s7  }
0x10: {  	[smem:$0x3FB6] =	sst s8  }
0x11: {  	[smem:$0x3FB7] =	sst s9;
	s0 =	simm.s32 @!p0 $0x0  }
0x12: {  	s1 =	sld [smem:$0x3F9D];
	s0 =	simm.s32 @p0 $0x1  }
0x13: {  	[smem:$0x3FB8] =	sst s0;
	s0 =	simm.s32 @!p1 $0x0  }
0x14: {  	s2 =	sld [smem:$0x3F9C];
	s0 =	simm.s32 @p1 $0x1  }
0x15: {  	[smem:$0x3FB9] =	sst s0;
	s0 =	simm.s32 @!p2 $0x0  }
0x16: {  	s3 =	sld [smem:$0x3FDB];
	s0 =	simm.s32 @p2 $0x1  }
0x17: {  	s4 =	simm.s32 $0x1BF5;
	[smem:$0x3FBB] =	sst s0  }
0x18: {  	s0 =	sld [smem:$0x3F9E];
	_ =	swait.ge [sflag:s4], $0x0  }
0x19: {  	s7 =	sld [smem:$0x3F9F]  }
0x1a: {  	s8 =	sadd.s32 $0xFFFFE003, lr  }
0x1b: {  	s9 =	sadd.s32 $0xFFFFFEF7, lr;
	s5 =	simm.s32 $0xFFFFFFFF;
	p2 =	slt.u32 s8, $0xFFFFF086  }
0x1c: {  	p1 =	slt.u32 s9, $0xF7A;
	s5 =	simm.s32 @!p2 $0x0  }
0x1d: {  	s5 =	simm.s32 @p1 $0x1;
	p0 =	seq.s32 s7, s2  }
0x1e: {  	s7 =	smul.u32 @!p0 $0xF7A, s2;
	p2 =	seq.s32 @!p0 s5, $0x0  }
0x1f: {  	s9 =	smul.u32 $0xF7A, s1;
	s8 =	simm.s32 @!p0 $0x1BF5;
	p2 =	por !p2, p0  }
0x20: {  	[sflag:s8] =	ssyncset.s32 @!p0 $0xFFFFF086;
	s6 =	sadd.s32 @!p0 s3, s7;
	s7 =	simm.s32 @!p0 $0x108  }
0x21: {  	s3 =	sadd.s32 s3, s9;
	s6 =	sadd.s32 @!p0 $0x88, s6;
	s7 =	simm.s32 @p2 $0x1082  }
0x22: {  	[simem:s7], [sflag:s8] =	dma.local @!p0 [hbm:s6], $0xF7A  }
0x23: {  	s9 =	sor.u32 $0xD0000000, s2;
	s6 =	simm.s32 $0x108;
	_ =	swait.ge @!p0 [sflag:s8], $0x0  }
0x24: {  	s3 =	sadd.s32 $0x88, s3;
	s6 =	simm.s32 @!p1 $0x1082;
	[sflag:s4] =	ssyncset.s32 $0xFFFFF086  }
0x25: {  	[simem:s6], [sflag:s4] =	dma.local [hbm:s3], $0xF7A  }
0x26: {  	[smem:$0x3F9F] =	sst s1;
	(tag) =	ssettag s2;
	_ =	strace s9  }
0x27: {  	s1 =	sld [smem:$0x3FAF]  }
0x28: {  	s2 =	sld [smem:$0x3FB0]  }
0x29: {  	s4 =	sld [smem:$0x3FB2]  }
0x2a: {  	p0 =	seq.s32 s5, $0x0;
	s5 =	sld [smem:$0x3FB3]  }
0x2b: {  	s6 =	sld [smem:$0x3FB4]  }
0x2c: {  	s7 =	sld [smem:$0x3FB5]  }
0x2d: {  	s3 =	simm.s32 $0x108;
	s8 =	sld [smem:$0x3FB6]  }
0x2e: {  	s3 =	simm.s32 @!p0 $0x1082;
	s9 =	sld [smem:$0x3FB7]  }
0x2f: {  	lr =	sadd.s32 s0, s3;
	s0 =	sld [smem:$0x3FAE]  }
0x30: {  	s3 =	sld [smem:$0x3FB1]  }
0x31: {  	[smem:$0x3FBA] =	sst s10  }
0x32: {  	s10 =	sld [smem:$0x3FB8];
	_ =	sdelay $0x3  }
0x33: {  	p0 =	seq.s32 s10, $0x1;
	s10 =	sld [smem:$0x3FBA];
	_ =	sdelay $0x3  }
0x34: {  	[smem:$0x3FBA] =	sst s10  }
0x35: {  	s10 =	sld [smem:$0x3FB9];
	_ =	sdelay $0x3  }
0x36: {  	p1 =	seq.s32 s10, $0x1;
	s10 =	sld [smem:$0x3FBA];
	_ =	sdelay $0x3  }
0x37: {  	[smem:$0x3FBA] =	sst s10  }
0x38: {  	s10 =	sld [smem:$0x3FBB]  }
0x39: {  	_ = 	snop;
	(pc) =	sbr.ind lr, $3  }
0x3a: {  	_ = 	snop  }
0x3b: {  	_ = 	snop  }
0x3c: {  	p2 =	seq.s32 s10, $0x1;
	s10 =	sld [smem:$0x3FBA]  }
0x3d: {  	_ =	shalt  }
0x3e: {  	_ =	shalt  }
0x3f: {  	_ =	shalt  }
0x40: {  	_ =	shalt  }
0x41: {  	_ =	shalt  }
0x42: {  	_ =	shalt  }
0x43: {  	_ =	shalt  }
0x44: {  	_ =	shalt  }
0x45: {  	_ =	shalt  }
0x46: {  	_ =	shalt  }
0x47: {  	_ =	shalt  }
0x48: {  	_ =	shalt  }
0x49: {  	_ =	shalt  }
0x4a: {  	_ =	shalt  }
0x4b: {  	_ =	shalt  }
0x4c: {  	_ =	shalt  }
0x4d: {  	_ =	shalt  }
0x4e: {  	_ =	shalt  }
0x4f: {  	_ =	shalt  }
0x50: {  	_ =	shalt  }
0x51: {  	_ =	shalt  }
0x52: {  	_ =	shalt  }
0x53: {  	_ =	shalt  }
0x54: {  	_ =	shalt  }
0x55: {  	_ =	shalt  }
0x56: {  	_ =	shalt  }
0x57: {  	_ =	shalt  }
0x58: {  	_ =	shalt  }
0x59: {  	_ =	shalt  }
0x5a: {  	_ =	shalt  }
0x5b: {  	_ =	shalt  }
0x5c: {  	_ =	shalt  }
0x5d: {  	_ =	shalt  }
0x5e: {  	_ =	shalt  }
0x5f: {  	_ =	shalt  }
0x60: {  	_ =	shalt  }
0x61: {  	_ =	shalt  }
0x62: {  	_ =	shalt  }
0x63: {  	_ =	shalt  }
0x64: {  	_ =	shalt  }
0x65: {  	_ =	shalt  }
0x66: {  	_ =	shalt  }
0x67: {  	_ =	shalt  }
0x68: {  	_ =	shalt  }
0x69: {  	_ =	shalt  }
0x6a: {  	_ =	shalt  }
0x6b: {  	_ =	shalt  }
0x6c: {  	_ =	shalt  }
0x6d: {  	_ =	shalt  }
0x6e: {  	_ =	shalt  }
0x6f: {  	_ =	shalt  }
0x70: {  	_ =	shalt  }
0x71: {  	_ =	shalt  }
0x72: {  	_ =	shalt  }
0x73: {  	_ =	shalt  }
0x74: {  	_ =	shalt  }
0x75: {  	_ =	shalt  }
0x76: {  	_ =	shalt  }
0x77: {  	_ =	shalt  }
0x78: {  	_ =	shalt  }
0x79: {  	_ =	shalt  }
0x7a: {  	_ =	shalt  }
0x7b: {  	_ =	shalt  }
0x7c: {  	_ =	shalt  }
0x7d: {  	_ =	shalt  }
0x7e: {  	_ =	shalt  }
0x7f: {  	_ =	shalt  }
0x80: {  	_ =	shalt  }
0x81: {  	_ =	shalt  }
0x82: {  	_ =	shalt  }
0x83: {  	_ =	shalt  }
0x84: {  	_ =	shalt  }
0x85: {  	_ =	shalt  }
0x86: {  	_ =	shalt  }
0x87: {  	_ =	shalt  }
.Lfunc_end0:
.L_simem_size_0:
called_computation.1_lowered:
.L_overlay_start_0:
0x88: {  	s2 =	sld [smem:$0x3FD9]  }
0x89: {  	s3 =	sld [smem:$0x3FFE];
	_ =	sdelay $0x1  }
0x8a: {  	s1 =	srdreg.scid  }
0x8b: {  	s0 =	sand.u32 $0x1, s1  }
0x8c: {  	s17 =	sshll.u32 s0, $0xA;
	s2 =	sadd.s32 s3, s2  }
0x8d: {  	s2 =	sadd.s32 s2, s17  }
0x8e: {  	[smem:$0x3FC6] =	sst s2  }
0x8f: {  	_ = 	snop  }
0x90: {  	s2 =	sld [smem:$0x3FD0];
	(tm) =	ssettm $0x1  }
0x91: {  	s18 =	sld [smem:$0x3FFB];
	_ =	sdelay $0x3  }
0x92: {  	_ =	strace s18  }
0x93: {  	s3 =	sld [smem:$0x3FFC];
	_ =	sdelay $0x3  }
0x94: {  	_ =	strace s3  }
0x95: {  	s3 =	sld [smem:$0x3FFD];
	_ =	sdelay $0x3  }
0x96: {  	_ =	strace s3  }
0x97: {  	_ =	strace $0x8FFFFFFF  }
0x98: {  	s19 =	sld [smem:$0x3FDB];
	_ =	sdelay $0x1  }
0x99: {  	s4 =	simm.s32 $_scs_section_size  }
0x9a: {  	s5 =	simm.s32 $_size__tile_overlayer_lowered;
	s6 =	simm.s32 $_tile_overlayer_lowered  }
0x9b: {  	s22 =	simm.s32 $0x1BFF;
	s21 =	sshll.u32 s6, $0x1;
	s3 =	sadd.s32 s4, s19  }
0x9c: {  	s7 =	simm.s32 $0x0;
	s20 =	sshll.u32 s5, $0x1;
	s5 =	sadd.s32 s21, s3  }
0x9d: {  	[timem:s7], [sflag:s22] =	dma.local [hbm:s5], s20  }
0x9e: {  	_ =	swait.ge [sflag:s22], s20  }
0x9f: {  	s4 =	ssub.s32 $0x0, s20;
	[sflag:s22] =	ssyncset.done $0x0  }
0xa0: {  	[sflag:s22] =	ssyncadd.s32 s4;
	_ =	sdelay $0x1  }
0xa1: {  	s23 =	simm.s32 $0x1B8B  }
0xa2: {  	_ =	swait.ge [sflag:s23], $0x1  }
0xa3: {  	[sflag:s23] =	ssyncset.done $0x0  }
0xa4: {  	s25 =	simm.s32 $0x1B8E;
	s24 =	sld [smem:$0x3FFE];
	[sflag:s23] =	ssyncadd.s32 $0xFFFFFFFF  }
0xa5: {  	s26 =	simm.s32 $execute0_lowered;
	[smem:$0x3FD2] =	sst s25  }
0xa6: {  	s5 =	sshll.u32 s26, $0x1;
	_ =	strace $0x80000046;
	[dreg:$0x1] =	wrdreg $0xFFFFFFFF  }
0xa7: {  	s28 =	simm.s32 $_size_execute0_lowered;
	s3 =	sadd.s32 s3, s5;
	[dreg:$0x0] =	wrdreg $0x0  }
0xa8: {  	s5 =	sshll.u32 s28, $0x1;
	[dreg:$0x2] =	wrdreg s3  }
0xa9: {  	[dreg:$0x3] =	wrdreg s5  }
0xaa: {  	[dreg:$0x4] =	wrdreg $0xC0  }
0xab: {  	_ =	task [dreg:s7], $0x5FFFF  }
0xac: {  	[dreg:$0x1] =	wrdreg $0xFFFFFFFF  }
0xad: {  	[dreg:$0x0] =	wrdreg $0x60  }
0xae: {  	[dreg:$0x2] =	wrdreg s24  }
0xaf: {  	[dreg:$0x3] =	wrdreg s2  }
0xb0: {  	[dreg:$0x4] =	wrdreg $0x9  }
0xb1: {  	_ =	task.clear_ibuf [dreg:s7], $0x5FFFF;
	_ =	strace $0x90000046  }
0xb2: {  	s29 =	simm.s32 $0x9;
	_ =	strace $0x80000048  }
0xb3: {  	_ =	swait.ge [sflag:s29], $0x1  }
0xb4: {  	[sflag:s29] =	ssyncadd.s32 $0xFFFFFFFF  }
0xb5: {  	_ =	strace $0x90000048  }
0xb6: {  	_ =	sfence  }
0xb7: {  	s30 =	sld [smem:$0x0];
	_ =	sdelay $0x2  }
0xb8: {  	s31 =	sshll.u32 s1, $0xD;
	s1 =	sshrl.u32 s1, $0x2  }
0xb9: {  	s3 =	sand.u32 $0x4000, s31;
	s1 =	sadd.s32 s1, s30  }
0xba: {  	s0 =	sor.u32 s3, s0;
	s1 =	sshll.u32 s1, $0x11  }
0xbb: {  	s0 =	sor.u32 s1, s0  }
0xbc: {  	s0 =	sadd.s32 $0x8F2B, s0  }
0xbd: {  	[sflag:s0] =	ssyncadd.remote.s32 $0x1  }
0xbe: {  	_ =	sfence.sel $0xFFFF  }
0xbf: {  	[dreg:$0x0] =	wrdreg $0xFFFFFFFF;
	(pc) =	sbr.abs _section_cstart, $3  }
0xc0: {  	[dreg:$0x1] =	wrdreg $0xFFFFFFFF  }
0xc1: {  	_ =	task.clear_ibuf [dreg:s7], $0x2FFFF;
	_ =	strace $0x9FFFFFFF  }
0xc2: {  	(tm) =	ssettm $0x7FFFFFFF  }
0xc3: {  	_ =	shalt  }
tec
execute0_lowered:
.L_overlay_start_1:
0x0: {  	(tag) =	ssettag $0x1  }
0x1: {  	s0 =	rddreg [dreg:$0x0]  }
0x2: {  	s1 =	srdreg.scid;
	s6 =	stileid.u32  }
0x3: {  	s8 =	rddreg [dreg:$0x1];
	s2 =	simm.s32 $0x0;
	s12 =	simm.s32 $0x6400  }
0x4: {  	s13 =	simm.s32 $0x8400;
	s15 =	simm.s32 $0xA400;
	s17 =	simm.s32 $0xC400  }
0x5: {  	s18 =	simm.s32 $0xE400;
	s19 =	simm.s32 $0x10400;
	s20 =	simm.s32 $0x12400  }
0x6: {  	s21 =	simm.s32 $0x14400;
	s22 =	simm.s32 $0x1;
	s23 =	simm.s32 $0x2  }
0x7: {  	s25 =	simm.s32 $0x6280;
	s26 =	simm.s32 $0x6300;
	s7 =	smul.u32 $0x320000, s6  }
0x8: {  	s1 =	sand.u32 $0x1, s1;
	s3 =	sshll.u32 s6, $0x1;
	s6 =	smul.u32 $0xC800, s6  }
0x9: {  	s28 =	simm.s32 $0x6380;
	[smem:$0x7FF] =	sst s2;
	s10 =	smul.u32 $0x6400, s1  }
0xa: {  	s3 =	sor.u32 s1, s3;
	s30 =	ssub.s32 $0x2, s1;
	s1 =	smul.u32 $0x190000, s1  }
0xb: {  	s29 =	simm.s32 $0x0;
	_ =	strace $0x80000047;
	s4 =	smul.u32 $0x6400, s3  }
0xc: {  	s5 =	smul.u32 $0x190000, s3;
	s3 =	sadd.s32 $0xF42E00, s0;
	s9 =	sshrl.u32 s30, $0x1  }
0xd: {  	s9 =	ssub.s32 s30, s9;
	s31 =	sadd.s32 s10, s6;
	s1 =	sadd.s32 s1, s7  }
0xe: {  	s10 =	simm.s32 $0x3;
	s4 =	sshrl.u32 s4, $0x3;
	s5 =	sshrl.u32 s5, $0x3  }
0xf: {  	s7 =	smax.u32 s9, $0x1;
	s1 =	sshrl.u32 s1, $0x3;
	s0 =	sadd.s32 s4, s0  }
0x10: {  	s11 =	sadd.s32 s8, s5;
	s4 =	sadd.s32 $0xA00, s0;
	s0 =	sshll.u32 s31, $0x3  }
0x11: {  	s5 =	sadd.s32 $0x30000, s11;
	s6 =	sadd.s32 $0x31000, s11;
	s0 =	sadd.s32 s0, s8  }
0x12: {  	s11 =	simm.s32 $0x80;
	s8 =	sadd.s32 s1, s8;
	s9 =	sadd.s32 $0x1000, s0  }
.LBB2_1:
0x13: {  	[tilespmem:s2], [sflag:$0x3] =	stream.linear.gather [hbm4b:s4+s2], $0x6400, $0x38;
	[tilespmem:$0x16400] =	vst v63  }
0x14: {  	_ =	swait.ge [sflag:s10], $0x6400  }
0x15: {  	[sflag:s10] =	ssyncset.done $0x0  }
0x16: {  	[sflag:s10] =	ssyncadd.s32 $0xFFFF9C00  }
0x17: {  	[tilespmem:s12], [sflag:$0x1] =	stream.indirect.gather [hbm4b:s3+s11], $0x40, s2, s11, $0xb8;
	[tilespmem:$0x16400] =	vst v63  }
0x18: {  	_ = 	snop  }
0x19: {  	[tilespmem:s13], [sflag:$0x1] =	stream.indirect.gather [hbm4b:s3+s11], $0x40, s11, s11, $0xb8;
	[tilespmem:$0x16400] =	vst v63  }
0x1a: {  	s0 =	simm.s32 $0x100  }
0x1b: {  	[tilespmem:s15], [sflag:$0x1] =	stream.indirect.gather [hbm4b:s3+s11], $0x40, s0, s11, $0xb8;
	[tilespmem:$0x16400] =	vst v63  }
0x1c: {  	s24 =	simm.s32 $0x180  }
0x1d: {  	[tilespmem:s17], [sflag:$0x1] =	stream.indirect.gather [hbm4b:s3+s11], $0x40, s24, s11, $0xb8;
	[tilespmem:$0x16400] =	vst v63  }
0x1e: {  	s1 =	simm.s32 $0x200  }
0x1f: {  	[tilespmem:s18], [sflag:$0x2] =	stream.indirect.gather [hbm4b:s3+s11], $0x40, s1, s11, $0xb8;
	[tilespmem:$0x16400] =	vst v63  }
0x20: {  	s14 =	simm.s32 $0x280  }
0x21: {  	[tilespmem:s19], [sflag:$0x2] =	stream.indirect.gather [hbm4b:s3+s11], $0x40, s14, s11, $0xb8;
	[tilespmem:$0x16400] =	vst v63  }
0x22: {  	s16 =	simm.s32 $0x300  }
0x23: {  	[tilespmem:s20], [sflag:$0x2] =	stream.indirect.gather [hbm4b:s3+s11], $0x40, s16, s11, $0xb8;
	[tilespmem:$0x16400] =	vst v63  }
0x24: {  	s24 =	simm.s32 $0x380  }
0x25: {  	[tilespmem:s21], [sflag:$0x2] =	stream.indirect.gather [hbm4b:s3+s11], $0x40, s24, s11, $0xb8;
	[tilespmem:$0x16400] =	vst v63  }
0x26: {  	_ =	swait.ge [sflag:s22], $0x2000  }
0x27: {  	[sflag:s22] =	ssyncset.done $0x0  }
0x28: {  	[sflag:s22] =	ssyncadd.s32 $0xFFFFE000  }
0x29: {  	_ =	swait.ge [sflag:s22], $0x2000  }
0x2a: {  	[sflag:s22] =	ssyncset.done $0x0  }
0x2b: {  	[sflag:s22] =	ssyncadd.s32 $0xFFFFE000  }
0x2c: {  	_ =	swait.ge [sflag:s22], $0x2000  }
0x2d: {  	[sflag:s22] =	ssyncset.done $0x0  }
0x2e: {  	[sflag:s22] =	ssyncadd.s32 $0xFFFFE000  }
0x2f: {  	_ =	swait.ge [sflag:s22], $0x2000  }
0x30: {  	[sflag:s22] =	ssyncset.done $0x0  }
0x31: {  	[sflag:s22] =	ssyncadd.s32 $0xFFFFE000  }
0x32: {  	[hbm4b:s8+s2] =	stream.linear.scatter [tilespmem:s12], [sflag:$0x3], $0x8000, $0x38;
	[tilespmem:$0x16400] =	vst v63  }
0x33: {  	_ =	swait.ge [sflag:s10], $0x8000  }
0x34: {  	[sflag:s10] =	ssyncset.done $0x0  }
0x35: {  	s1 =	simm.s32 $0x400;
	[sflag:s10] =	ssyncadd.s32 $0xFFFF8000  }
0x36: {  	[tilespmem:s12], [sflag:$0x1] =	stream.indirect.gather [hbm4b:s3+s11], $0x40, s1, s11, $0xb8;
	[tilespmem:$0x16400] =	vst v63  }
0x37: {  	s14 =	simm.s32 $0x480  }
0x38: {  	[tilespmem:s13], [sflag:$0x1] =	stream.indirect.gather [hbm4b:s3+s11], $0x40, s14, s11, $0xb8;
	[tilespmem:$0x16400] =	vst v63  }
0x39: {  	s16 =	simm.s32 $0x500  }
0x3a: {  	[tilespmem:s15], [sflag:$0x1] =	stream.indirect.gather [hbm4b:s3+s11], $0x40, s16, s11, $0xb8;
	[tilespmem:$0x16400] =	vst v63  }
0x3b: {  	s24 =	simm.s32 $0x580  }
0x3c: {  	[tilespmem:s17], [sflag:$0x1] =	stream.indirect.gather [hbm4b:s3+s11], $0x40, s24, s11, $0xb8;
	[tilespmem:$0x16400] =	vst v63  }
0x3d: {  	_ =	swait.ge [sflag:s23], $0x2000  }
0x3e: {  	[sflag:s23] =	ssyncset.done $0x0  }
0x3f: {  	[sflag:s23] =	ssyncadd.s32 $0xFFFFE000  }
0x40: {  	_ =	swait.ge [sflag:s23], $0x2000  }
0x41: {  	[sflag:s23] =	ssyncset.done $0x0  }
0x42: {  	[sflag:s23] =	ssyncadd.s32 $0xFFFFE000  }
0x43: {  	_ =	swait.ge [sflag:s23], $0x2000  }
0x44: {  	[sflag:s23] =	ssyncset.done $0x0  }
0x45: {  	[sflag:s23] =	ssyncadd.s32 $0xFFFFE000  }
0x46: {  	_ =	swait.ge [sflag:s23], $0x2000  }
0x47: {  	[sflag:s23] =	ssyncset.done $0x0  }
0x48: {  	[sflag:s23] =	ssyncadd.s32 $0xFFFFE000  }
0x49: {  	[hbm4b:s9+s2] =	stream.linear.scatter [tilespmem:s18], [sflag:$0x3], $0x8000, $0x38;
	[tilespmem:$0x16400] =	vst v63  }
0x4a: {  	s30 =	sadd.s32 $0x2000, s9;
	s31 =	sadd.s32 $0x2000, s8;
	_ =	swait.ge [sflag:s10], $0x8000  }
0x4b: {  	s0 =	simm.s32 $0x2000;
	s1 =	simm.s32 $0x400;
	[sflag:s10] =	ssyncset.done $0x0  }
.LBB2_2:
0x4c: {  	s24 =	sadd.s32 $0x200, s1  }
0x4d: {  	[sflag:s10] =	ssyncadd.s32 $0xFFFF8000;
	s14 =	smov.u32 s0;
	s16 =	sadd.s32 $0x1000, s0  }
0x4e: {  	[tilespmem:s18], [sflag:$0x2] =	stream.indirect.gather [hbm4b:s3+s11], $0x40, s24, s11, $0xb8;
	[tilespmem:$0x16400] =	vst v63  }
0x4f: {  	p0 =	sne.s32 s0, $0x17000;
	s0 =	sadd.s32 $0x280, s1  }
0x50: {  	[tilespmem:s19], [sflag:$0x2] =	stream.indirect.gather [hbm4b:s3+s11], $0x40, s0, s11, $0xb8;
	[tilespmem:$0x16400] =	vst v63  }
0x51: {  	s0 =	sadd.s32 $0x300, s1  }
0x52: {  	[tilespmem:s20], [sflag:$0x2] =	stream.indirect.gather [hbm4b:s3+s11], $0x40, s0, s11, $0xb8;
	[tilespmem:$0x16400] =	vst v63  }
0x53: {  	s0 =	sadd.s32 $0x380, s1  }
0x54: {  	[tilespmem:s21], [sflag:$0x2] =	stream.indirect.gather [hbm4b:s3+s11], $0x40, s0, s11, $0xb8;
	[tilespmem:$0x16400] =	vst v63  }
0x55: {  	_ =	swait.ge [sflag:s22], $0x2000  }
0x56: {  	[sflag:s22] =	ssyncset.done $0x0  }
0x57: {  	[sflag:s22] =	ssyncadd.s32 $0xFFFFE000  }
0x58: {  	_ =	swait.ge [sflag:s22], $0x2000  }
0x59: {  	[sflag:s22] =	ssyncset.done $0x0  }
0x5a: {  	[sflag:s22] =	ssyncadd.s32 $0xFFFFE000  }
0x5b: {  	_ =	swait.ge [sflag:s22], $0x2000  }
0x5c: {  	[sflag:s22] =	ssyncset.done $0x0  }
0x5d: {  	[sflag:s22] =	ssyncadd.s32 $0xFFFFE000  }
0x5e: {  	_ =	swait.ge [sflag:s22], $0x2000  }
0x5f: {  	[sflag:s22] =	ssyncset.done $0x0  }
0x60: {  	[sflag:s22] =	ssyncadd.s32 $0xFFFFE000  }
0x61: {  	[hbm4b:s31+s2] =	stream.linear.scatter [tilespmem:s12], [sflag:$0x3], $0x8000, $0x38;
	[tilespmem:$0x16400] =	vst v63  }
0x62: {  	_ =	swait.ge [sflag:s10], $0x8000  }
0x63: {  	[sflag:s10] =	ssyncset.done $0x0  }
0x64: {  	s0 =	sadd.s32 $0x400, s1;
	[sflag:s10] =	ssyncadd.s32 $0xFFFF8000  }
0x65: {  	[tilespmem:s12], [sflag:$0x1] =	stream.indirect.gather [hbm4b:s3+s11], $0x40, s0, s11, $0xb8;
	[tilespmem:$0x16400] =	vst v63  }
0x66: {  	s0 =	sadd.s32 $0x480, s1  }
0x67: {  	[tilespmem:s13], [sflag:$0x1] =	stream.indirect.gather [hbm4b:s3+s11], $0x40, s0, s11, $0xb8;
	[tilespmem:$0x16400] =	vst v63  }
0x68: {  	s0 =	sadd.s32 $0x500, s1  }
0x69: {  	[tilespmem:s15], [sflag:$0x1] =	stream.indirect.gather [hbm4b:s3+s11], $0x40, s0, s11, $0xb8;
	[tilespmem:$0x16400] =	vst v63  }
0x6a: {  	s0 =	sadd.s32 $0x580, s1  }
0x6b: {  	[tilespmem:s17], [sflag:$0x1] =	stream.indirect.gather [hbm4b:s3+s11], $0x40, s0, s11, $0xb8;
	[tilespmem:$0x16400] =	vst v63  }
0x6c: {  	_ =	swait.ge [sflag:s23], $0x2000  }
0x6d: {  	[sflag:s23] =	ssyncset.done $0x0  }
0x6e: {  	[sflag:s23] =	ssyncadd.s32 $0xFFFFE000  }
0x6f: {  	_ =	swait.ge [sflag:s23], $0x2000  }
0x70: {  	[sflag:s23] =	ssyncset.done $0x0  }
0x71: {  	[sflag:s23] =	ssyncadd.s32 $0xFFFFE000  }
0x72: {  	_ =	swait.ge [sflag:s23], $0x2000  }
0x73: {  	[sflag:s23] =	ssyncset.done $0x0  }
0x74: {  	[sflag:s23] =	ssyncadd.s32 $0xFFFFE000  }
0x75: {  	_ =	swait.ge [sflag:s23], $0x2000  }
.Ltmp0:
0x76: {  	[sflag:s23] =	ssyncset.done $0x0;
	(pc) =	sbr.rel @p0 .LBB2_2-.Ltmp0, $4  }
0x77: {  	[sflag:s23] =	ssyncadd.s32 $0xFFFFE000  }
0x78: {  	[hbm4b:s30+s2] =	stream.linear.scatter [tilespmem:s18], [sflag:$0x3], $0x8000, $0x38;
	[tilespmem:$0x16400] =	vst v63  }
0x79: {  	s31 =	sadd.s32 $0x2000, s31;
	s30 =	sadd.s32 $0x2000, s30;
	_ =	swait.ge [sflag:s10], $0x8000  }
0x7a: {  	s1 =	sshra.s32 s14, $0x2;
	s0 =	smov.u32 s16;
	[sflag:s10] =	ssyncset.done $0x0  }
0x7b: {  	s0 =	sadd.s32 $0x200, s1;
	[sflag:s10] =	ssyncadd.s32 $0xFFFF8000  }
0x7c: {  	[tilespmem:s18], [sflag:$0x2] =	stream.indirect.gather [hbm4b:s3+s11], $0x40, s0, s11, $0xb8;
	[tilespmem:$0x16400] =	vst v63  }
0x7d: {  	s14 =	sadd.s32 $0x280, s1  }
0x7e: {  	[tilespmem:s19], [sflag:$0x2] =	stream.indirect.gather [hbm4b:s3+s11], $0x40, s14, s11, $0xb8;
	[tilespmem:$0x16400] =	vst v63  }
0x7f: {  	s16 =	sadd.s32 $0x300, s1  }
0x80: {  	[tilespmem:s20], [sflag:$0x2] =	stream.indirect.gather [hbm4b:s3+s11], $0x40, s16, s11, $0xb8;
	[tilespmem:$0x16400] =	vst v63  }
0x81: {  	s24 =	sadd.s32 $0x380, s1  }
0x82: {  	[tilespmem:s21], [sflag:$0x2] =	stream.indirect.gather [hbm4b:s3+s11], $0x40, s24, s11, $0xb8;
	[tilespmem:$0x16400] =	vst v63  }
0x83: {  	_ =	swait.ge [sflag:s22], $0x2000  }
0x84: {  	[sflag:s22] =	ssyncset.done $0x0  }
0x85: {  	[sflag:s22] =	ssyncadd.s32 $0xFFFFE000  }
0x86: {  	_ =	swait.ge [sflag:s22], $0x2000  }
0x87: {  	[sflag:s22] =	ssyncset.done $0x0  }
0x88: {  	[sflag:s22] =	ssyncadd.s32 $0xFFFFE000  }
0x89: {  	_ =	swait.ge [sflag:s22], $0x2000  }
0x8a: {  	[sflag:s22] =	ssyncset.done $0x0  }
0x8b: {  	[sflag:s22] =	ssyncadd.s32 $0xFFFFE000  }
0x8c: {  	_ =	swait.ge [sflag:s22], $0x2000  }
0x8d: {  	[sflag:s22] =	ssyncset.done $0x0  }
0x8e: {  	[sflag:s22] =	ssyncadd.s32 $0xFFFFE000  }
0x8f: {  	[hbm4b:s31+s2] =	stream.linear.scatter [tilespmem:s12], [sflag:$0x3], $0x8000, $0x38;
	[tilespmem:$0x16400] =	vst v63  }
0x90: {  	_ =	swait.ge [sflag:s10], $0x8000  }
0x91: {  	[sflag:s10] =	ssyncset.done $0x0  }
0x92: {  	s31 =	sadd.s32 $0x400, s1;
	[sflag:s10] =	ssyncadd.s32 $0xFFFF8000  }
0x93: {  	[tilespmem:s12], [sflag:$0x1] =	stream.indirect.gather [hbm4b:s3+s11], $0x40, s31, s11, $0xb8;
	[tilespmem:$0x16400] =	vst v63  }
0x94: {  	s14 =	sadd.s32 $0x480, s1  }
0x95: {  	[tilespmem:s13], [sflag:$0x1] =	stream.indirect.gather [hbm4b:s3+s11], $0x40, s14, s11, $0xb8;
	[tilespmem:$0x16400] =	vst v63  }
0x96: {  	s16 =	sadd.s32 $0x500, s1  }
0x97: {  	[tilespmem:s15], [sflag:$0x1] =	stream.indirect.gather [hbm4b:s3+s11], $0x40, s16, s11, $0xb8;
	[tilespmem:$0x16400] =	vst v63  }
0x98: {  	s24 =	sadd.s32 $0x580, s1  }
0x99: {  	[tilespmem:s17], [sflag:$0x1] =	stream.indirect.gather [hbm4b:s3+s11], $0x40, s24, s11, $0xb8;
	[tilespmem:$0x16400] =	vst v63  }
0x9a: {  	_ =	swait.ge [sflag:s23], $0x2000  }
0x9b: {  	[sflag:s23] =	ssyncset.done $0x0  }
0x9c: {  	[sflag:s23] =	ssyncadd.s32 $0xFFFFE000  }
0x9d: {  	_ =	swait.ge [sflag:s23], $0x2000  }
0x9e: {  	[sflag:s23] =	ssyncset.done $0x0  }
0x9f: {  	[sflag:s23] =	ssyncadd.s32 $0xFFFFE000  }
0xa0: {  	_ =	swait.ge [sflag:s23], $0x2000  }
0xa1: {  	[sflag:s23] =	ssyncset.done $0x0  }
0xa2: {  	[sflag:s23] =	ssyncadd.s32 $0xFFFFE000  }
0xa3: {  	_ =	swait.ge [sflag:s23], $0x2000  }
0xa4: {  	[sflag:s23] =	ssyncset.done $0x0  }
0xa5: {  	[sflag:s23] =	ssyncadd.s32 $0xFFFFE000  }
0xa6: {  	[hbm4b:s30+s2] =	stream.linear.scatter [tilespmem:s18], [sflag:$0x3], $0x8000, $0x38;
	[tilespmem:$0x16400] =	vst v63  }
0xa7: {  	_ =	swait.ge [sflag:s10], $0x8000  }
0xa8: {  	[sflag:s10] =	ssyncset.done $0x0  }
0xa9: {  	s31 =	simm.s32 $0x6200;
	[sflag:s10] =	ssyncadd.s32 $0xFFFF8000  }
0xaa: {  	[tilespmem:s18], [sflag:$0x2] =	stream.indirect.gather [hbm4b:s3+s11], $0x40, s31, s11, $0xb8;
	[tilespmem:$0x16400] =	vst v63  }
0xab: {  	_ = 	snop  }
0xac: {  	[tilespmem:s19], [sflag:$0x2] =	stream.indirect.gather [hbm4b:s3+s11], $0x40, s25, s11, $0xb8;
	[tilespmem:$0x16400] =	vst v63  }
0xad: {  	_ = 	snop  }
0xae: {  	[tilespmem:s20], [sflag:$0x2] =	stream.indirect.gather [hbm4b:s3+s11], $0x40, s26, s11, $0xb8;
	[tilespmem:$0x16400] =	vst v63  }
0xaf: {  	_ = 	snop  }
0xb0: {  	[tilespmem:s21], [sflag:$0x2] =	stream.indirect.gather [hbm4b:s3+s11], $0x40, s28, s11, $0xb8;
	[tilespmem:$0x16400] =	vst v63  }
0xb1: {  	_ =	swait.ge [sflag:s22], $0x2000  }
0xb2: {  	[sflag:s22] =	ssyncset.done $0x0  }
0xb3: {  	[sflag:s22] =	ssyncadd.s32 $0xFFFFE000  }
0xb4: {  	_ =	swait.ge [sflag:s22], $0x2000  }
0xb5: {  	[sflag:s22] =	ssyncset.done $0x0  }
0xb6: {  	[sflag:s22] =	ssyncadd.s32 $0xFFFFE000  }
0xb7: {  	_ =	swait.ge [sflag:s22], $0x2000  }
0xb8: {  	[sflag:s22] =	ssyncset.done $0x0  }
0xb9: {  	[sflag:s22] =	ssyncadd.s32 $0xFFFFE000  }
0xba: {  	_ =	swait.ge [sflag:s22], $0x2000  }
0xbb: {  	[sflag:s22] =	ssyncset.done $0x0  }
0xbc: {  	[sflag:s22] =	ssyncadd.s32 $0xFFFFE000  }
0xbd: {  	[hbm4b:s5+s2] =	stream.linear.scatter [tilespmem:s12], [sflag:$0x3], $0x8000, $0x38;
	[tilespmem:$0x16400] =	vst v63  }
0xbe: {  	_ =	swait.ge [sflag:s10], $0x8000  }
0xbf: {  	[sflag:s10] =	ssyncset.done $0x0  }
0xc0: {  	[sflag:s10] =	ssyncadd.s32 $0xFFFF8000  }
0xc1: {  	_ =	swait.ge [sflag:s23], $0x2000  }
0xc2: {  	[sflag:s23] =	ssyncset.done $0x0  }
0xc3: {  	[sflag:s23] =	ssyncadd.s32 $0xFFFFE000  }
0xc4: {  	_ =	swait.ge [sflag:s23], $0x2000  }
0xc5: {  	[sflag:s23] =	ssyncset.done $0x0  }
0xc6: {  	[sflag:s23] =	ssyncadd.s32 $0xFFFFE000  }
0xc7: {  	_ =	swait.ge [sflag:s23], $0x2000  }
0xc8: {  	[sflag:s23] =	ssyncset.done $0x0  }
0xc9: {  	[sflag:s23] =	ssyncadd.s32 $0xFFFFE000  }
0xca: {  	s29 =	sadd.s32 $0x1, s29;
	_ =	swait.ge [sflag:s23], $0x2000  }
0xcb: {  	p0 =	sne.s32 s29, s7;
	[sflag:s23] =	ssyncset.done $0x0  }
.Ltmp1:
0xcc: {  	[sflag:s23] =	ssyncadd.s32 $0xFFFFE000;
	(pc) =	sbr.rel @p0 .LBB2_1-.Ltmp1, $4  }
0xcd: {  	[hbm4b:s6+s2] =	stream.linear.scatter [tilespmem:s18], [sflag:$0x3], $0x8000, $0x38;
	[tilespmem:$0x16400] =	vst v63  }
0xce: {  	_ =	swait.ge [sflag:s10], $0x8000  }
0xcf: {  	[sflag:s10] =	ssyncset.done $0x0  }
0xd0: {  	[sflag:s10] =	ssyncadd.s32 $0xFFFF8000  }
0xd1: {  	_ =	sfence.sel $0x180000  }
0xd2: {  	[bflag:$0x0] =	sbarrier.arrive $0xFFFF  }
0xd3: {  	_ =	strace $0x90000047  }
0xd4: {  	s0 =	stileid.u32;
	[bflag:$0x2] =	sbarrier.arrive $0xFFFF  }
0xd5: {  	p0 =	sne.s32 s0, $0x0;
	s0 =	rddreg [dreg:$0x2]  }
0xd6: {  	s0 =	sadd.s32 @!p0 $0x100000, s0  }
0xd7: {  	[sflag:s0] =	ssyncadd.tile.s32 @!p0 $0x1;
	_ =	shalt  }
.Lfunc_end2:
_tile_overlayer_lowered:
.L_overlay_start_2:
0xd8: {  	(tag) =	ssettag $0x2  }
0xd9: {  	s0 =	rddreg [dreg:$0x0];
	s2 =	stileid.u32  }
0xda: {  	s1 =	rddreg [dreg:$0x1];
	p0 =	sne.s32 s2, $0x0  }
0xdb: {  	s3 =	rddreg [dreg:$0x2];
	[bflag:$0x3] =	sbarrier.arrive $0xFFFF;
	s2 =	simm.s32 @!p0 $0x1C03  }
0xdc: {  	[timem:s3], [sflag:s2] =	dma.local @!p0 [hbm:s0], s1  }
0xdd: {  	s0 =	simm.s32 @!p0 $0x3  }
0xde: {  	_ =	swait.ge @!p0 [sflag:s0], s1  }
0xdf: {  	s1 =	ssub.s32 @!p0 $0x0, s1;
	[sflag:s0] =	ssyncset.done @!p0 $0x0  }
0xe0: {  	[sflag:s0] =	ssyncadd.s32 @!p0 s1  }
0xe1: {  	[bflag:$0x3] =	sbarrier.arrive $0xFFFF  }
0xe2: {  	_ =	shalt  }

// kernel: sparse-core-data-format-call.cloned.1.call-start
scs
called_computation_lowered:
.L_overlay_start_0:
0x0: {  	s2 =	sld [smem:$0x3FD9]  }
0x1: {  	s3 =	sld [smem:$0x3FFE];
	_ =	sdelay $0x1  }
0x2: {  	s1 =	srdreg.scid  }
0x3: {  	s0 =	sand.u32 $0x1, s1  }
0x4: {  	s18 =	sshll.u32 s0, $0xA;
	s2 =	sadd.s32 s3, s2  }
0x5: {  	s2 =	sadd.s32 s2, s18  }
0x6: {  	[smem:$0x3FC6] =	sst s2  }
0x7: {  	_ = 	snop  }
0x8: {  	s2 =	sld [smem:$0x3FD0];
	(tm) =	ssettm $0x1  }
0x9: {  	s19 =	sld [smem:$0x3FFB];
	_ =	sdelay $0x3  }
0xa: {  	_ =	strace s19  }
0xb: {  	s3 =	sld [smem:$0x3FFC];
	_ =	sdelay $0x3  }
0xc: {  	_ =	strace s3  }
0xd: {  	s3 =	sld [smem:$0x3FFD];
	_ =	sdelay $0x3  }
0xe: {  	_ =	strace s3  }
0xf: {  	_ =	strace $0x8FFFFFFF  }
0x10: {  	s20 =	sld [smem:$0x3FDB];
	_ =	sdelay $0x1  }
0x11: {  	s4 =	simm.s32 $_scs_section_size  }
0x12: {  	s5 =	simm.s32 $_size__tile_overlayer_lowered;
	s6 =	simm.s32 $_tile_overlayer_lowered  }
0x13: {  	s23 =	simm.s32 $0x1BFF;
	s22 =	sshll.u32 s6, $0x1;
	s3 =	sadd.s32 s4, s20  }
0x14: {  	s7 =	simm.s32 $0x0;
	s21 =	sshll.u32 s5, $0x1;
	s5 =	sadd.s32 s22, s3  }
0x15: {  	[timem:s7], [sflag:s23] =	dma.local [hbm:s5], s21  }
0x16: {  	_ =	swait.ge [sflag:s23], s21  }
0x17: {  	s4 =	ssub.s32 $0x0, s21;
	[sflag:s23] =	ssyncset.done $0x0  }
0x18: {  	[sflag:s23] =	ssyncadd.s32 s4;
	_ =	sdelay $0x1  }
0x19: {  	s24 =	simm.s32 $0x1B8B  }
0x1a: {  	_ =	swait.ge [sflag:s24], $0x1  }
0x1b: {  	[sflag:s24] =	ssyncset.done $0x0  }
0x1c: {  	s26 =	simm.s32 $0x1B8E;
	s25 =	sld [smem:$0x3FFE];
	[sflag:s24] =	ssyncadd.s32 $0xFFFFFFFF  }
0x1d: {  	s27 =	simm.s32 $execute0_lowered;
	[smem:$0x3FD2] =	sst s26  }
0x1e: {  	s5 =	sshll.u32 s27, $0x1;
	_ =	strace $0x80000049;
	[dreg:$0x1] =	wrdreg $0xFFFFFFFF  }
0x1f: {  	s28 =	simm.s32 $_size_execute0_lowered;
	s3 =	sadd.s32 s3, s5;
	[dreg:$0x0] =	wrdreg $0x0  }
0x20: {  	s5 =	sshll.u32 s28, $0x1;
	[dreg:$0x2] =	wrdreg s3  }
0x21: {  	[dreg:$0x3] =	wrdreg s5  }
0x22: {  	[dreg:$0x4] =	wrdreg $0xC0  }
0x23: {  	_ =	task [dreg:s7], $0x5FFFF  }
0x24: {  	[dreg:$0x1] =	wrdreg $0xFFFFFFFF  }
0x25: {  	[dreg:$0x0] =	wrdreg $0x60  }
0x26: {  	[dreg:$0x2] =	wrdreg s25  }
0x27: {  	[dreg:$0x3] =	wrdreg s2  }
0x28: {  	[dreg:$0x4] =	wrdreg $0x9  }
0x29: {  	_ =	task.clear_ibuf [dreg:s7], $0x5FFFF;
	_ =	strace $0x90000049  }
0x2a: {  	s29 =	simm.s32 $0x9;
	_ =	strace $0x8000004B  }
0x2b: {  	_ =	swait.ge [sflag:s29], $0x1  }
0x2c: {  	[sflag:s29] =	ssyncadd.s32 $0xFFFFFFFF  }
0x2d: {  	_ =	strace $0x9000004B  }
0x2e: {  	_ =	sfence  }
0x2f: {  	s30 =	sld [smem:$0x0];
	_ =	sdelay $0x2  }
0x30: {  	s31 =	sshll.u32 s1, $0xD;
	s1 =	sshrl.u32 s1, $0x2  }
0x31: {  	s3 =	sand.u32 $0x4000, s31;
	s1 =	sadd.s32 s1, s30  }
0x32: {  	s0 =	sor.u32 s3, s0;
	s1 =	sshll.u32 s1, $0x11  }
0x33: {  	s0 =	sor.u32 s1, s0  }
0x34: {  	s0 =	sadd.s32 $0x8F2B, s0  }
0x35: {  	[sflag:s0] =	ssyncadd.remote.s32 $0x1  }
0x36: {  	_ =	sfence.sel $0xFFFF  }
0x37: {  	[dreg:$0x0] =	wrdreg $0xFFFFFFFF;
	(pc) =	sbr.abs _section_cstart, $3  }
0x38: {  	[dreg:$0x1] =	wrdreg $0xFFFFFFFF  }
0x39: {  	_ =	task.clear_ibuf [dreg:s7], $0x2FFFF;
	_ =	strace $0x9FFFFFFF  }
0x3a: {  	(tm) =	ssettm $0x7FFFFFFF  }
0x3b: {  	_ =	shalt  }
tec
execute0_lowered:
.L_overlay_start_1:
0x0: {  	(tag) =	ssettag $0x1  }
0x1: {  	s0 =	srdreg.scid  }
0x2: {  	s1 =	sshll.u32 s0, $0x4  }
0x3: {  	s0 =	stileid.u32;
	s1 =	sand.u32 $0x10, s1  }
0x4: {  	s1 =	sor.u32 s0, s1  }
0x5: {  	s6 =	rddreg [dreg:$0x0];
	s4 =	simm.s32 $0x1;
	s2 =	sshll.u32 s1, $0x7  }
0x6: {  	s7 =	simm.s32 $0x2;
	s12 =	simm.s32 $0x0;
	s1 =	ssub.s32 $0x4000, s2  }
0x7: {  	s8 =	simm.s32 $0x20000;
	s13 =	simm.s32 $0x0;
	s3 =	sand.u32 $0xF80, s1  }
0x8: {  	s9 =	simm.s32 $0x0;
	s5 =	sshrl.u32 s1, $0xC;
	p0 =	sne.s32 s3, $0x0  }
.Ltmp0:
0x9: {  	s1 =	rddreg [dreg:$0x2];
	s4 =	simm.s32 @!p0 $0x0;
	(pc) =	sbr.rel .LBB1_1-.Ltmp0, $4  }
0xa: {  	s11 =	simm.s32 $0x0;
	s3 =	rddreg [dreg:$0x1];
	s5 =	sadd.s32 s4, s5  }
0xb: {  	_ =	strace $0x8000004A;
	s4 =	simm.s32 $0x1;
	s5 =	smul.u32 $0x32, s5  }
0xc: {  	s6 =	sadd.s32 $0xA00, s6;
	s10 =	smov.u32 s2;
	[sflag:s4] =	ssyncpa.u1 $0x0  }
0xd: {  	p0 =	por $0x0, $0x0;
	[sflag:s7] =	ssyncpa.u1 $0x0;
	s7 =	sor.u32 $0x1, s5  }
.LBB1_4:
0xe: {  	s16 =	sshll.u32 s13, $0x3;
	s17 =	sand.u32 $0x78, s13  }
0xf: {  	s30 =	sand.u32 $0x1F800, s13;
	s12 =	sshll.u32 s12, $0x11;
	s16 =	sand.u32 $0x3C00, s16  }
0x10: {  	[tilespmem:s15+$0x810 ss:$0x81] =	vst.msk $0xffff, v2;
	s31 =	sand.u32 $0x7, s13;
	s16 =	sor.u32 s17, s16;
	s17 =	sadd.s32 s3, s30  }
0x11: {  	[tilespmem:s15+$0x1020 ss:$0x81] =	vst.msk $0xffff, v0;
	s13 =	sshll.u32 s31, $0x12;
	s12 =	sadd.s32 s12, s17;
	s16 =	sshrl.u32 s16, $0x3  }
0x12: {  	[tilespmem:s15+$0x0 ss:$0x81] =	vst.msk $0xffff, v1;
	s13 =	sor.u32 $0x400, s13;
	s12 =	sadd.s32 s16, s12  }
0x13: {  	[hbm4b:s12+s13] =	stream.strided.scatter [tilespmem:s14], [sflag:$0x2], $0x2000, s8, s13, $0x20;
	[tilespmem:$0x8080] =	vst v63  }
.LBB1_5:
0x14: {  	s14 =	sadd.s32 $0x1, s9  }
0x15: {  	s12 =	sadd.s32 $0x1000, s10;
	s16 =	smov.u32 s10;
	p2 =	sgt.s32 s14, $0x31  }
0x16: {  	s16 =	smov.u32 @p2 s12  }
0x17: {  	s14 =	simm.s32 @p2 $0x0;
	p2 =	sgt.s32 s16, $0x3FFF  }
0x18: {  	s16 =	smov.u32 @p2 s2;
	p2 =	sne.s32 s11, s7  }
.Ltmp1:
0x19: {  	p1 =	slt.u32 s11, $0x2;
	(pc) =	sbr.rel @!p2 .LBB1_6-.Ltmp1, $4  }
0x1a: {  	s15 =	simm.s32 @!p1 $0x2  }
0x1b: {  	s13 =	smov.u32 s10;
	p0 =	por !p0, !p0;
	_ =	swait.ge @!p1 [sflag:s15], $0x2000  }
0x1c: {  	s12 =	smov.u32 s9;
	[sflag:s15] =	ssyncset.done @!p1 $0x0;
	s9 =	smov.u32 s14  }
0x1d: {  	s11 =	sadd.s32 $0x1, s11;
	[sflag:s15] =	ssyncadd.s32 @!p1 $0xFFFFE000;
	s10 =	smov.u32 s16  }
.LBB1_1:
0x1e: {  	p1 =	sge.u32 s11, s5  }
0x1f: {  	s14 =	sand.u32 @!p1 $0x1FFFFFF, s9  }
0x20: {  	s15 =	smulhi.u32 @!p1 $0x4924925, s14;
	_ =	sdelay $0x1  }
0x21: {  	s15 =	smul.u32 @!p1 $0x38, s15  }
0x22: {  	s16 =	sxor.u32 @!p1 $0xFFFFFFFF, s11;
	s17 =	smul.u32 @!p1 $0x380, s10  }
0x23: {  	s31 =	sadd.s32 $0xFFFFFFFF, s11;
	s16 =	sshll.u32 @!p1 s16, $0xD;
	s14 =	ssub.s32 @!p1 s14, s15  }
0x24: {  	s15 =	sand.u32 @!p1 $0x2000, s16;
	s16 =	sadd.s32 @!p1 s6, s17;
	s14 =	sshll.u32 @!p1 s14, $0x4  }
0x25: {  	s17 =	simm.s32 @!p1 $0x1C00;
	s14 =	sadd.s32 @!p1 s14, s16;
	s16 =	simm.s32 @!p1 $0x40  }
0x26: {  	[tilespmem:s15], [sflag:$0x1] =	stream.strided.gather @!p1 [hbm4b:s14+s16], $0x2000, s17, s16, $0x38;
	[tilespmem:$0x8080] =	vst v63  }
0x27: {  	p1 =	sge.u32 s31, s5  }
.Ltmp2:
0x28: {  	_ = 	snop;
	(pc) =	sbr.rel @p1 .LBB1_5-.Ltmp2, $1  }
0x29: {  	_ =	sdelay $0x3  }
0x2a: {  	s14 =	simm.s32 $0x1  }
0x2b: {  	_ =	swait.ge [sflag:s4], $0x2000;
	s14 =	simm.s32 @!p0 $0x0  }
0x2c: {  	[sflag:s4] =	ssyncset.done $0x0;
	s15 =	sshll.u32 s14, $0xD  }
0x2d: {  	[sflag:s4] =	ssyncadd.s32 $0xFFFFE000;
	s18 =	sor.u32 $0x20, s15  }
0x2e: {  	s14 =	smul.u32 $0x8100, s14;
	v3 =	vld [tilespmem:s18+$0x10]  }
0x2f: {  	s30 =	sand.u32 $0x1, s11;
	v2 =	vld [tilespmem:s18+$0xFFFFFFF0]  }
0x30: {  	s15 =	smul.u32 $0x8100, s30;
	s14 =	sshrl.u32 s14, $0x2;
	v0 =	vld [tilespmem:s18+$0x0]  }
0x31: {  	v1 =	vld [tilespmem:s18+$0xFFFFFFE0];
	s16 =	sor.u32 $0x4000, s14  }
0x32: {  	s31 =	sshrl.u32 s15, $0x2;
	s15 =	sadd.s32 $0x0, s16  }
0x33: {  	s17 =	simm.s32 $0x4;
	s18 =	sadd.s32 $0x40, s18;
	s14 =	sor.u32 $0x4000, s31;
	[tilespmem:s15+$0x1830 ss:$0x81] =	vst.msk $0xffff, v3  }
.LBB1_3:
0x34: {  	v3 =	vld [tilespmem:s18+$0x10];
	p1 =	sne.s32 s17, $0x1FC;
	[tilespmem:s15+$0x810 ss:$0x81] =	vst.msk $0xffff, v2;
	s19 =	smov.u32 s17;
	s17 =	sadd.s32 $0x4, s17  }
.Ltmp3:
0x35: {  	v2 =	vld [tilespmem:s18+$0xFFFFFFF0];
	[tilespmem:s15+$0x1020 ss:$0x81] =	vst.msk $0xffff, v0;
	(pc) =	sbr.rel @p1 .LBB1_3-.Ltmp3, $4  }
0x36: {  	v0 =	vld [tilespmem:s18+$0x0];
	[tilespmem:s15+$0x0 ss:$0x81] =	vst.msk $0xffff, v1  }
0x37: {  	s15 =	sshra.s32 s19, $0x2;
	v1 =	vld [tilespmem:s18+$0xFFFFFFE0]  }
0x38: {  	s15 =	sadd.s32 s15, s16  }
0x39: {  	s18 =	sadd.s32 $0x40, s18;
	[tilespmem:s15+$0x1830 ss:$0x81] =	vst.msk $0xffff, v3  }
.Ltmp4:
0x3a: {  	_ = 	snop;
	(pc) =	sbr.rel .LBB1_4-.Ltmp4, $1  }
0x3b: {  	_ =	sdelay $0x3  }
.LBB1_6:
0x3c: {  	_ =	sfence.sel $0x180000  }
0x3d: {  	s2 =	simm.s32 $0x1;
	[bflag:$0x0] =	sbarrier.arrive $0xFFFF  }
0x3e: {  	s31 =	simm.s32 $0x2;
	[sflag:s2] =	ssyncpa.u1 $0x1  }
0x3f: {  	[sflag:s31] =	ssyncpa.u1 $0x1  }
0x40: {  	p0 =	sne.s32 s0, $0x0;
	_ =	strace $0x9000004A  }
0x41: {  	s0 =	sadd.s32 @!p0 $0x100000, s1;
	[bflag:$0x2] =	sbarrier.arrive $0xFFFF  }
0x42: {  	[sflag:s0] =	ssyncadd.tile.s32 @!p0 $0x1;
	_ =	shalt  }
.Lfunc_end1:
_tile_overlayer_lowered:
.L_overlay_start_2:
0x43: {  	(tag) =	ssettag $0x2  }
0x44: {  	s0 =	rddreg [dreg:$0x0];
	s2 =	stileid.u32  }
0x45: {  	s1 =	rddreg [dreg:$0x1];
	p0 =	sne.s32 s2, $0x0  }
0x46: {  	s3 =	rddreg [dreg:$0x2];
	[bflag:$0x3] =	sbarrier.arrive $0xFFFF;
	s2 =	simm.s32 @!p0 $0x1C01  }
0x47: {  	[timem:s3], [sflag:s2] =	dma.local @!p0 [hbm:s0], s1  }
0x48: {  	s0 =	simm.s32 @!p0 $0x1  }
0x49: {  	_ =	swait.ge @!p0 [sflag:s0], s1  }
0x4a: {  	s1 =	ssub.s32 @!p0 $0x0, s1;
	[sflag:s0] =	ssyncset.done @!p0 $0x0  }
0x4b: {  	[sflag:s0] =	ssyncadd.s32 @!p0 s1  }
0x4c: {  	[bflag:$0x3] =	sbarrier.arrive $0xFFFF  }
0x4d: {  	_ =	shalt  }

</sc_bundles>
